<compile_context>
chip_gen: v7x
topology: tpu7x:2x2x1
jax: 0.10.2.dev20260603
libtpu: 0.0.44.dev20260713+nightly
codegen_flags: <defaults>
</compile_context>

<pallas_src>
import functools

import jax
import jax.numpy as jnp
from jax import lax
from jax.experimental import pallas as pl
from jax.experimental.pallas import tpu as pltpu
from jax.experimental.pallas import tpu_sc as plsc

_D = 300
_D_PAD = 384
_CHUNK = 128


@functools.cache
def _make_gather(n_tokens):
    info = plsc.get_sparse_core_info()
    nc, ns = info.num_cores, info.num_subcores
    nw = nc * ns
    assert n_tokens % (nw * 2 * _CHUNK) == 0, n_tokens
    per_w = n_tokens // nw
    n_pairs = per_w // (2 * _CHUNK)
    mesh = plsc.VectorSubcoreMesh(core_axis_name="c", subcore_axis_name="s")

    @functools.partial(
        pl.kernel,
        mesh=mesh,
        out_type=jax.ShapeDtypeStruct((n_tokens, _D_PAD), jnp.float32),
        scratch_types=[
            pltpu.VMEM((per_w,), jnp.int32),
            pltpu.VMEM((_CHUNK, _D_PAD), jnp.float32),
            pltpu.VMEM((_CHUNK, _D_PAD), jnp.float32),
            pltpu.SemaphoreType.DMA,
            pltpu.SemaphoreType.DMA,
            pltpu.SemaphoreType.DMA,
            pltpu.SemaphoreType.DMA,
        ],
    )
    def gather(idx_hbm, table_hbm, out_hbm, ids_my, rows_a, rows_b,
               in_a, in_b, out_a, out_b):
        wid = lax.axis_index("s") * nc + lax.axis_index("c")
        base = wid * per_w

        pltpu.sync_copy(idx_hbm.at[pl.ds(base, per_w)], ids_my)

        def idx_slice(c):
            return ids_my.at[pl.ds(c * _CHUNK, _CHUNK)]

        def out_slice(c):
            return out_hbm.at[pl.ds(base + c * _CHUNK, _CHUNK)]

        def fire_in(c, rows, sem):
            pltpu.async_copy(table_hbm.at[idx_slice(c)], rows, sem)

        def wait_in(c, rows, sem):
            pltpu.make_async_copy(table_hbm.at[idx_slice(c)], rows, sem).wait()

        def fire_out(c, rows, sem):
            pltpu.async_copy(rows, out_slice(c), sem)

        def wait_out(c, rows, sem):
            pltpu.make_async_copy(rows, out_slice(c), sem).wait()

        fire_in(0, rows_a, in_a)

        def pair(j, carry):
            c0 = 2 * j
            c1 = 2 * j + 1

            @pl.when(j != 0)
            def _():
                wait_out(c1 - 2, rows_b, out_b)

            fire_in(c1, rows_b, in_b)
            wait_in(c0, rows_a, in_a)
            fire_out(c0, rows_a, out_a)

            @pl.when(j + 1 < n_pairs)
            def _():
                wait_out(c0, rows_a, out_a)
                fire_in(c0 + 2, rows_a, in_a)

            wait_in(c1, rows_b, in_b)
            fire_out(c1, rows_b, out_b)
            return carry

        lax.fori_loop(0, n_pairs, pair, 0)

        wait_out(per_w // _CHUNK - 2, rows_a, out_a)
        wait_out(per_w // _CHUNK - 1, rows_b, out_b)

    return gather


def kernel(token_ids, table):
    flat = token_ids.reshape(-1).astype(jnp.int32)
    table_pad = jnp.pad(table, ((0, 0), (0, _D_PAD - _D)))
    out = _make_gather(flat.shape[0])(flat, table_pad)
    return out[:, :_D].reshape(*token_ids.shape, table.shape[1])

# --- scband reference (transcript-rebuilt; emitter-appended) ---
"""Pipeline reference for scband-news-embedder-21457656610856 (READ-ONLY COPY).

The authoritative reference and input builder live on the scoring server;
editing this copy changes nothing except your own understanding.
"""

import jax, jax.numpy as jnp
import numpy as np

VOCAB = 100000
EMB_DIM = 300
TABLE_ROWS = VOCAB + 2  # module appends two zero rows (padding at last index)


def setup_inputs(seed: int = 0) -> dict:
    key = jax.random.key(seed)
    k_idx, k_tab = jax.random.split(key)
    token_ids = jax.random.randint(k_idx, (4096, 200), 0, VOCAB)
    # Emulate nlp.vocab.vectors.data / 10.0 with two appended zero rows
    table = jax.random.normal(k_tab, (TABLE_ROWS, EMB_DIM), dtype=jnp.float32) / 10.0
    table = table.at[-2:].set(0.0)
    return {"token_ids": token_ids, "table": table}


def reference(token_ids, table):
    # nn.Embedding lookup -> gather rows
    vectors = jnp.take(table, token_ids, axis=0)
    # Dropout in eval mode (p=0.0) is identity
    return vectors

if __name__ == "__main__":
    import jax
    _d = setup_inputs()
    print(jax.jit(kernel)(*tuple(_d.values())))

</pallas_src>

<mosaic_0001>
#map = affine_map<(d0, d1) -> (0)>
#map1 = affine_map<(d0, d1) -> (0, 0)>
module attributes {stable_mosaic.version = 14 : i64} {
  func.func @gather(%arg0: i32, %arg1: i32, %arg2: memref<819200xi32, #tpu.memory_space<hbm>>, %arg3: memref<100002x384xf32, #tpu.memory_space<hbm>>, %arg4: memref<819200x384xf32, #tpu.memory_space<hbm>>, %arg5: memref<25600xi32, #tpu.memory_space<vmem>>, %arg6: memref<128x384xf32, #tpu.memory_space<vmem>>, %arg7: memref<128x384xf32, #tpu.memory_space<vmem>>, %arg8: memref<!tpu.dma_semaphore, #tpu.memory_space<semaphore_mem>>, %arg9: memref<!tpu.dma_semaphore, #tpu.memory_space<semaphore_mem>>, %arg10: memref<!tpu.dma_semaphore, #tpu.memory_space<semaphore_mem>>, %arg11: memref<!tpu.dma_semaphore, #tpu.memory_space<semaphore_mem>>) attributes {dimension_semantics = [#tpu.dimension_semantics<core_parallel>, #tpu.dimension_semantics<subcore_parallel>], iteration_bounds = array<i64: 2, 16>, scalar_prefetch = 0 : i64, scratch_operands = 7 : i64, tpu.core_type = #tpu.core_type<sc_vector_subcore>, window_params = [{transform_indices = #map}, {transform_indices = #map1}, {transform_indices = #map1}]} {
    %mul3A = arith.constant 2 : i32
    %mul3A_0 = arith.muli %arg1, %mul3A : i32
    %add3A = arith.addi %mul3A_0, %arg0 : i32
    %mul3A_1 = arith.constant 25600 : i32
    %mul3A_2 = arith.muli %add3A, %mul3A_1 : i32
    "tpu.region"() ({
      %run_scoped3A = tpu.sem_alloc : memref<!tpu.dma_semaphore, #tpu.memory_space<semaphore_mem>>
      %dma_start3A_23 = tpu.memref_slice %arg2[%mul3A_2] : memref<819200xi32, #tpu.memory_space<hbm>> -> memref<25600xi32, #tpu.memory_space<hbm>>
      %dma_start3A_24 = tpu.memref_slice %arg2[%mul3A_2] : memref<819200xi32, #tpu.memory_space<hbm>> -> memref<25600xi32, #tpu.memory_space<hbm>>
      tpu.enqueue_dma source(%dma_start3A_24 : memref<25600xi32, #tpu.memory_space<hbm>>) target(%arg5 : memref<25600xi32, #tpu.memory_space<vmem>>) target_semaphore(%run_scoped3A : memref<!tpu.dma_semaphore, #tpu.memory_space<semaphore_mem>>)
      %dma_wait3A_25 = tpu.memref_slice %arg2[%mul3A_2] : memref<819200xi32, #tpu.memory_space<hbm>> -> memref<25600xi32, #tpu.memory_space<hbm>>
      %dma_wait3A_26 = tpu.memref_slice %arg2[%mul3A_2] : memref<819200xi32, #tpu.memory_space<hbm>> -> memref<25600xi32, #tpu.memory_space<hbm>>
      tpu.wait_dma2 semaphore(%run_scoped3A : memref<!tpu.dma_semaphore, #tpu.memory_space<semaphore_mem>>) src(%dma_wait3A_26 : memref<25600xi32, #tpu.memory_space<hbm>>) dst(%arg5 : memref<25600xi32, #tpu.memory_space<vmem>>)
      tpu.yield
    }) : () -> ()
    %dma_start3A = arith.constant 0 : i32
    %dma_start3A_3 = tpu.memref_slice %arg5[%dma_start3A] : memref<25600xi32, #tpu.memory_space<vmem>> -> memref<128xi32, #tpu.memory_space<vmem>>
    %dma_start3A_4 = arith.constant 0 : i32
    %dma_start3A_5 = arith.constant 0 : i32
    %dma_start3A_6 = tpu.memref_slice %arg3[%dma_start3A_4, %dma_start3A_5] : memref<100002x384xf32, #tpu.memory_space<hbm>> -> memref<100002x384xf32, #tpu.memory_space<hbm>>
    tpu.enqueue_indirect_dma source(%dma_start3A_6 : memref<100002x384xf32, #tpu.memory_space<hbm>>) target(%arg6 : memref<128x384xf32, #tpu.memory_space<vmem>>) offsets(%dma_start3A_3 : memref<128xi32, #tpu.memory_space<vmem>>) semaphore(%arg8 : memref<!tpu.dma_semaphore, #tpu.memory_space<semaphore_mem>>)
    %scan3A = arith.constant 0 : i32
    %scan3A_7 = arith.constant 0 : i32
    %scan3A_8 = arith.constant 100 : i32
    %scan3A_9 = arith.addi %scan3A_7, %scan3A_8 : i32
    %scan3A_10 = arith.constant 1 : i32
    scf.for %scan3A_23 = %scan3A_7 to %scan3A_9 step %scan3A_10  : i32 {
      %mul3A_24 = arith.constant 2 : i32
      %mul3A_25 = arith.muli %mul3A_24, %scan3A_23 : i32
      %mul3A_26 = arith.constant 2 : i32
      %mul3A_27 = arith.muli %mul3A_26, %scan3A_23 : i32
      %add3A_28 = arith.constant 1 : i32
      %add3A_29 = arith.addi %mul3A_27, %add3A_28 : i32
      %ne3A = arith.constant 0 : i32
      %ne3A_30 = arith.cmpi ne, %scan3A_23, %ne3A : i32
      %convert_element_type3A = arith.extui %ne3A_30 : i1 to i32
      %cond3A = arith.constant 0 : i32
      %cond3A_31 = arith.cmpi ne, %convert_element_type3A, %cond3A : i32
      scf.if %cond3A_31 {
        %sub3A = arith.constant 2 : i32
        %sub3A_70 = arith.subi %add3A_29, %sub3A : i32
        %mul3A_71 = arith.constant 128 : i32
        %mul3A_72 = arith.muli %sub3A_70, %mul3A_71 : i32
        %add3A_73 = arith.addi %mul3A_2, %mul3A_72 : i32
        %dma_wait3A_74 = arith.constant 0 : i32
        %dma_wait3A_75 = tpu.memref_slice %arg4[%add3A_73, %dma_wait3A_74] : memref<819200x384xf32, #tpu.memory_space<hbm>> -> memref<128x384xf32, #tpu.memory_space<hbm>>
        %dma_wait3A_76 = arith.constant 0 : i32
        %dma_wait3A_77 = tpu.memref_slice %arg4[%add3A_73, %dma_wait3A_76] : memref<819200x384xf32, #tpu.memory_space<hbm>> -> memref<128x384xf32, #tpu.memory_space<hbm>>
        tpu.wait_dma2 semaphore(%arg11 : memref<!tpu.dma_semaphore, #tpu.memory_space<semaphore_mem>>) src(%arg7 : memref<128x384xf32, #tpu.memory_space<vmem>>) dst(%dma_wait3A_77 : memref<128x384xf32, #tpu.memory_space<hbm>>)
      } else {
      }
      %mul3A_32 = arith.constant 128 : i32
      %mul3A_33 = arith.muli %add3A_29, %mul3A_32 : i32
      %dma_start3A_34 = tpu.memref_slice %arg5[%mul3A_33] : memref<25600xi32, #tpu.memory_space<vmem>> -> memref<128xi32, #tpu.memory_space<vmem>>
      %dma_start3A_35 = arith.constant 0 : i32
      %dma_start3A_36 = arith.constant 0 : i32
      %dma_start3A_37 = tpu.memref_slice %arg3[%dma_start3A_35, %dma_start3A_36] : memref<100002x384xf32, #tpu.memory_space<hbm>> -> memref<100002x384xf32, #tpu.memory_space<hbm>>
      tpu.enqueue_indirect_dma source(%dma_start3A_37 : memref<100002x384xf32, #tpu.memory_space<hbm>>) target(%arg7 : memref<128x384xf32, #tpu.memory_space<vmem>>) offsets(%dma_start3A_34 : memref<128xi32, #tpu.memory_space<vmem>>) semaphore(%arg9 : memref<!tpu.dma_semaphore, #tpu.memory_space<semaphore_mem>>)
      %mul3A_38 = arith.constant 128 : i32
      %mul3A_39 = arith.muli %mul3A_25, %mul3A_38 : i32
      %dma_wait3A_40 = tpu.memref_slice %arg5[%mul3A_39] : memref<25600xi32, #tpu.memory_space<vmem>> -> memref<128xi32, #tpu.memory_space<vmem>>
      %dma_wait3A_41 = arith.constant 0 : i32
      %dma_wait3A_42 = arith.constant 0 : i32
      %dma_wait3A_43 = tpu.memref_slice %arg3[%dma_wait3A_41, %dma_wait3A_42] : memref<100002x384xf32, #tpu.memory_space<hbm>> -> memref<100002x384xf32, #tpu.memory_space<hbm>>
      tpu.wait_indirect_dma semaphore(%arg8 : memref<!tpu.dma_semaphore, #tpu.memory_space<semaphore_mem>>) src(%dma_wait3A_43 : memref<100002x384xf32, #tpu.memory_space<hbm>>) dst(%arg6 : memref<128x384xf32, #tpu.memory_space<vmem>>)
      %mul3A_44 = arith.constant 128 : i32
      %mul3A_45 = arith.muli %mul3A_25, %mul3A_44 : i32
      %add3A_46 = arith.addi %mul3A_2, %mul3A_45 : i32
      %dma_start3A_47 = arith.constant 0 : i32
      %dma_start3A_48 = tpu.memref_slice %arg4[%add3A_46, %dma_start3A_47] : memref<819200x384xf32, #tpu.memory_space<hbm>> -> memref<128x384xf32, #tpu.memory_space<hbm>>
      %dma_start3A_49 = arith.constant 0 : i32
      %dma_start3A_50 = tpu.memref_slice %arg4[%add3A_46, %dma_start3A_49] : memref<819200x384xf32, #tpu.memory_space<hbm>> -> memref<128x384xf32, #tpu.memory_space<hbm>>
      tpu.enqueue_dma source(%arg6 : memref<128x384xf32, #tpu.memory_space<vmem>>) target(%dma_start3A_50 : memref<128x384xf32, #tpu.memory_space<hbm>>) target_semaphore(%arg10 : memref<!tpu.dma_semaphore, #tpu.memory_space<semaphore_mem>>)
      %add3A_51 = arith.constant 1 : i32
      %add3A_52 = arith.addi %scan3A_23, %add3A_51 : i32
      %lt3A = arith.constant 100 : i32
      %lt3A_53 = arith.cmpi slt, %add3A_52, %lt3A : i32
      %convert_element_type3A_54 = arith.extui %lt3A_53 : i1 to i32
      %cond3A_55 = arith.constant 0 : i32
      %cond3A_56 = arith.cmpi ne, %convert_element_type3A_54, %cond3A_55 : i32
      scf.if %cond3A_56 {
        %mul3A_70 = arith.constant 128 : i32
        %mul3A_71 = arith.muli %mul3A_25, %mul3A_70 : i32
        %add3A_72 = arith.addi %mul3A_2, %mul3A_71 : i32
        %dma_wait3A_73 = arith.constant 0 : i32
        %dma_wait3A_74 = tpu.memref_slice %arg4[%add3A_72, %dma_wait3A_73] : memref<819200x384xf32, #tpu.memory_space<hbm>> -> memref<128x384xf32, #tpu.memory_space<hbm>>
        %dma_wait3A_75 = arith.constant 0 : i32
        %dma_wait3A_76 = tpu.memref_slice %arg4[%add3A_72, %dma_wait3A_75] : memref<819200x384xf32, #tpu.memory_space<hbm>> -> memref<128x384xf32, #tpu.memory_space<hbm>>
        tpu.wait_dma2 semaphore(%arg10 : memref<!tpu.dma_semaphore, #tpu.memory_space<semaphore_mem>>) src(%arg6 : memref<128x384xf32, #tpu.memory_space<vmem>>) dst(%dma_wait3A_76 : memref<128x384xf32, #tpu.memory_space<hbm>>)
        %add3A_77 = arith.constant 2 : i32
        %add3A_78 = arith.addi %mul3A_25, %add3A_77 : i32
        %mul3A_79 = arith.constant 128 : i32
        %mul3A_80 = arith.muli %add3A_78, %mul3A_79 : i32
        %dma_start3A_81 = tpu.memref_slice %arg5[%mul3A_80] : memref<25600xi32, #tpu.memory_space<vmem>> -> memref<128xi32, #tpu.memory_space<vmem>>
        %dma_start3A_82 = arith.constant 0 : i32
        %dma_start3A_83 = arith.constant 0 : i32
        %dma_start3A_84 = tpu.memref_slice %arg3[%dma_start3A_82, %dma_start3A_83] : memref<100002x384xf32, #tpu.memory_space<hbm>> -> memref<100002x384xf32, #tpu.memory_space<hbm>>
        tpu.enqueue_indirect_dma source(%dma_start3A_84 : memref<100002x384xf32, #tpu.memory_space<hbm>>) target(%arg6 : memref<128x384xf32, #tpu.memory_space<vmem>>) offsets(%dma_start3A_81 : memref<128xi32, #tpu.memory_space<vmem>>) semaphore(%arg8 : memref<!tpu.dma_semaphore, #tpu.memory_space<semaphore_mem>>)
      } else {
      }
      %mul3A_57 = arith.constant 128 : i32
      %mul3A_58 = arith.muli %add3A_29, %mul3A_57 : i32
      %dma_wait3A_59 = tpu.memref_slice %arg5[%mul3A_58] : memref<25600xi32, #tpu.memory_space<vmem>> -> memref<128xi32, #tpu.memory_space<vmem>>
      %dma_wait3A_60 = arith.constant 0 : i32
      %dma_wait3A_61 = arith.constant 0 : i32
      %dma_wait3A_62 = tpu.memref_slice %arg3[%dma_wait3A_60, %dma_wait3A_61] : memref<100002x384xf32, #tpu.memory_space<hbm>> -> memref<100002x384xf32, #tpu.memory_space<hbm>>
      tpu.wait_indirect_dma semaphore(%arg9 : memref<!tpu.dma_semaphore, #tpu.memory_space<semaphore_mem>>) src(%dma_wait3A_62 : memref<100002x384xf32, #tpu.memory_space<hbm>>) dst(%arg7 : memref<128x384xf32, #tpu.memory_space<vmem>>)
      %mul3A_63 = arith.constant 128 : i32
      %mul3A_64 = arith.muli %add3A_29, %mul3A_63 : i32
      %add3A_65 = arith.addi %mul3A_2, %mul3A_64 : i32
      %dma_start3A_66 = arith.constant 0 : i32
      %dma_start3A_67 = tpu.memref_slice %arg4[%add3A_65, %dma_start3A_66] : memref<819200x384xf32, #tpu.memory_space<hbm>> -> memref<128x384xf32, #tpu.memory_space<hbm>>
      %dma_start3A_68 = arith.constant 0 : i32
      %dma_start3A_69 = tpu.memref_slice %arg4[%add3A_65, %dma_start3A_68] : memref<819200x384xf32, #tpu.memory_space<hbm>> -> memref<128x384xf32, #tpu.memory_space<hbm>>
      tpu.enqueue_dma source(%arg7 : memref<128x384xf32, #tpu.memory_space<vmem>>) target(%dma_start3A_69 : memref<128x384xf32, #tpu.memory_space<hbm>>) target_semaphore(%arg11 : memref<!tpu.dma_semaphore, #tpu.memory_space<semaphore_mem>>)
    }
    %scan3A_11 = arith.constant 100 : i32
    %add3A_12 = arith.constant 25344 : i32
    %add3A_13 = arith.addi %mul3A_2, %add3A_12 : i32
    %dma_wait3A = arith.constant 0 : i32
    %dma_wait3A_14 = tpu.memref_slice %arg4[%add3A_13, %dma_wait3A] : memref<819200x384xf32, #tpu.memory_space<hbm>> -> memref<128x384xf32, #tpu.memory_space<hbm>>
    %dma_wait3A_15 = arith.constant 0 : i32
    %dma_wait3A_16 = tpu.memref_slice %arg4[%add3A_13, %dma_wait3A_15] : memref<819200x384xf32, #tpu.memory_space<hbm>> -> memref<128x384xf32, #tpu.memory_space<hbm>>
    tpu.wait_dma2 semaphore(%arg10 : memref<!tpu.dma_semaphore, #tpu.memory_space<semaphore_mem>>) src(%arg6 : memref<128x384xf32, #tpu.memory_space<vmem>>) dst(%dma_wait3A_16 : memref<128x384xf32, #tpu.memory_space<hbm>>)
    %add3A_17 = arith.constant 25472 : i32
    %add3A_18 = arith.addi %mul3A_2, %add3A_17 : i32
    %dma_wait3A_19 = arith.constant 0 : i32
    %dma_wait3A_20 = tpu.memref_slice %arg4[%add3A_18, %dma_wait3A_19] : memref<819200x384xf32, #tpu.memory_space<hbm>> -> memref<128x384xf32, #tpu.memory_space<hbm>>
    %dma_wait3A_21 = arith.constant 0 : i32
    %dma_wait3A_22 = tpu.memref_slice %arg4[%add3A_18, %dma_wait3A_21] : memref<819200x384xf32, #tpu.memory_space<hbm>> -> memref<128x384xf32, #tpu.memory_space<hbm>>
    tpu.wait_dma2 semaphore(%arg11 : memref<!tpu.dma_semaphore, #tpu.memory_space<semaphore_mem>>) src(%arg7 : memref<128x384xf32, #tpu.memory_space<vmem>>) dst(%dma_wait3A_22 : memref<128x384xf32, #tpu.memory_space<hbm>>)
    return
  }
}

</mosaic_0001>

<sc_bundles>
// kernel: kernel.3.cloned.1.call-start
scs
__scs_entry_jumppad:
0x0: {  	(pc) =	sbr.rel $0x88, $3  }
0x1: {  	(tag) =	ssettag $0x0;
	lr =	simm.s32 $0x1  }
0x2: {  	[smem:$0x3F9F] =	sst lr;
	_ =	strace $0xD0000000  }
0x3: {  	_ = 	snop  }
0x4: {  	_ = 	snop  }
0x5: {  	_ = 	snop  }
0x6: {  	_ = 	snop  }
0x7: {  	_ = 	snop  }
__scs_overlays_trampoline_lowered:
0x8: {  	[smem:$0x3FAE] =	sst s0  }
0x9: {  	[smem:$0x3FAF] =	sst s1  }
0xa: {  	[smem:$0x3FB0] =	sst s2  }
0xb: {  	[smem:$0x3FB1] =	sst s3  }
0xc: {  	[smem:$0x3FB2] =	sst s4  }
0xd: {  	[smem:$0x3FB3] =	sst s5  }
0xe: {  	[smem:$0x3FB4] =	sst s6  }
0xf: {  	[smem:$0x3FB5] =	sst s7  }
0x10: {  	[smem:$0x3FB6] =	sst s8  }
0x11: {  	[smem:$0x3FB7] =	sst s9;
	s0 =	simm.s32 @!p0 $0x0  }
0x12: {  	s1 =	sld [smem:$0x3F9D];
	s0 =	simm.s32 @p0 $0x1  }
0x13: {  	[smem:$0x3FB8] =	sst s0;
	s0 =	simm.s32 @!p1 $0x0  }
0x14: {  	s2 =	sld [smem:$0x3F9C];
	s0 =	simm.s32 @p1 $0x1  }
0x15: {  	[smem:$0x3FB9] =	sst s0;
	s0 =	simm.s32 @!p2 $0x0  }
0x16: {  	s3 =	sld [smem:$0x3FDB];
	s0 =	simm.s32 @p2 $0x1  }
0x17: {  	s4 =	simm.s32 $0x1BF5;
	[smem:$0x3FBB] =	sst s0  }
0x18: {  	s0 =	sld [smem:$0x3F9E];
	_ =	swait.ge [sflag:s4], $0x0  }
0x19: {  	s7 =	sld [smem:$0x3F9F]  }
0x1a: {  	s8 =	sadd.s32 $0xFFFFE003, lr  }
0x1b: {  	s9 =	sadd.s32 $0xFFFFFEF7, lr;
	s5 =	simm.s32 $0xFFFFFFFF;
	p2 =	slt.u32 s8, $0xFFFFF086  }
0x1c: {  	p1 =	slt.u32 s9, $0xF7A;
	s5 =	simm.s32 @!p2 $0x0  }
0x1d: {  	s5 =	simm.s32 @p1 $0x1;
	p0 =	seq.s32 s7, s2  }
0x1e: {  	s7 =	smul.u32 @!p0 $0xF7A, s2;
	p2 =	seq.s32 @!p0 s5, $0x0  }
0x1f: {  	s9 =	smul.u32 $0xF7A, s1;
	s8 =	simm.s32 @!p0 $0x1BF5;
	p2 =	por !p2, p0  }
0x20: {  	[sflag:s8] =	ssyncset.s32 @!p0 $0xFFFFF086;
	s6 =	sadd.s32 @!p0 s3, s7;
	s7 =	simm.s32 @!p0 $0x108  }
0x21: {  	s3 =	sadd.s32 s3, s9;
	s6 =	sadd.s32 @!p0 $0x88, s6;
	s7 =	simm.s32 @p2 $0x1082  }
0x22: {  	[simem:s7], [sflag:s8] =	dma.local @!p0 [hbm:s6], $0xF7A  }
0x23: {  	s9 =	sor.u32 $0xD0000000, s2;
	s6 =	simm.s32 $0x108;
	_ =	swait.ge @!p0 [sflag:s8], $0x0  }
0x24: {  	s3 =	sadd.s32 $0x88, s3;
	s6 =	simm.s32 @!p1 $0x1082;
	[sflag:s4] =	ssyncset.s32 $0xFFFFF086  }
0x25: {  	[simem:s6], [sflag:s4] =	dma.local [hbm:s3], $0xF7A  }
0x26: {  	[smem:$0x3F9F] =	sst s1;
	(tag) =	ssettag s2;
	_ =	strace s9  }
0x27: {  	s1 =	sld [smem:$0x3FAF]  }
0x28: {  	s2 =	sld [smem:$0x3FB0]  }
0x29: {  	s4 =	sld [smem:$0x3FB2]  }
0x2a: {  	p0 =	seq.s32 s5, $0x0;
	s5 =	sld [smem:$0x3FB3]  }
0x2b: {  	s6 =	sld [smem:$0x3FB4]  }
0x2c: {  	s7 =	sld [smem:$0x3FB5]  }
0x2d: {  	s3 =	simm.s32 $0x108;
	s8 =	sld [smem:$0x3FB6]  }
0x2e: {  	s3 =	simm.s32 @!p0 $0x1082;
	s9 =	sld [smem:$0x3FB7]  }
0x2f: {  	lr =	sadd.s32 s0, s3;
	s0 =	sld [smem:$0x3FAE]  }
0x30: {  	s3 =	sld [smem:$0x3FB1]  }
0x31: {  	[smem:$0x3FBA] =	sst s10  }
0x32: {  	s10 =	sld [smem:$0x3FB8];
	_ =	sdelay $0x3  }
0x33: {  	p0 =	seq.s32 s10, $0x1;
	s10 =	sld [smem:$0x3FBA];
	_ =	sdelay $0x3  }
0x34: {  	[smem:$0x3FBA] =	sst s10  }
0x35: {  	s10 =	sld [smem:$0x3FB9];
	_ =	sdelay $0x3  }
0x36: {  	p1 =	seq.s32 s10, $0x1;
	s10 =	sld [smem:$0x3FBA];
	_ =	sdelay $0x3  }
0x37: {  	[smem:$0x3FBA] =	sst s10  }
0x38: {  	s10 =	sld [smem:$0x3FBB]  }
0x39: {  	_ = 	snop;
	(pc) =	sbr.ind lr, $3  }
0x3a: {  	_ = 	snop  }
0x3b: {  	_ = 	snop  }
0x3c: {  	p2 =	seq.s32 s10, $0x1;
	s10 =	sld [smem:$0x3FBA]  }
0x3d: {  	_ =	shalt  }
0x3e: {  	_ =	shalt  }
0x3f: {  	_ =	shalt  }
0x40: {  	_ =	shalt  }
0x41: {  	_ =	shalt  }
0x42: {  	_ =	shalt  }
0x43: {  	_ =	shalt  }
0x44: {  	_ =	shalt  }
0x45: {  	_ =	shalt  }
0x46: {  	_ =	shalt  }
0x47: {  	_ =	shalt  }
0x48: {  	_ =	shalt  }
0x49: {  	_ =	shalt  }
0x4a: {  	_ =	shalt  }
0x4b: {  	_ =	shalt  }
0x4c: {  	_ =	shalt  }
0x4d: {  	_ =	shalt  }
0x4e: {  	_ =	shalt  }
0x4f: {  	_ =	shalt  }
0x50: {  	_ =	shalt  }
0x51: {  	_ =	shalt  }
0x52: {  	_ =	shalt  }
0x53: {  	_ =	shalt  }
0x54: {  	_ =	shalt  }
0x55: {  	_ =	shalt  }
0x56: {  	_ =	shalt  }
0x57: {  	_ =	shalt  }
0x58: {  	_ =	shalt  }
0x59: {  	_ =	shalt  }
0x5a: {  	_ =	shalt  }
0x5b: {  	_ =	shalt  }
0x5c: {  	_ =	shalt  }
0x5d: {  	_ =	shalt  }
0x5e: {  	_ =	shalt  }
0x5f: {  	_ =	shalt  }
0x60: {  	_ =	shalt  }
0x61: {  	_ =	shalt  }
0x62: {  	_ =	shalt  }
0x63: {  	_ =	shalt  }
0x64: {  	_ =	shalt  }
0x65: {  	_ =	shalt  }
0x66: {  	_ =	shalt  }
0x67: {  	_ =	shalt  }
0x68: {  	_ =	shalt  }
0x69: {  	_ =	shalt  }
0x6a: {  	_ =	shalt  }
0x6b: {  	_ =	shalt  }
0x6c: {  	_ =	shalt  }
0x6d: {  	_ =	shalt  }
0x6e: {  	_ =	shalt  }
0x6f: {  	_ =	shalt  }
0x70: {  	_ =	shalt  }
0x71: {  	_ =	shalt  }
0x72: {  	_ =	shalt  }
0x73: {  	_ =	shalt  }
0x74: {  	_ =	shalt  }
0x75: {  	_ =	shalt  }
0x76: {  	_ =	shalt  }
0x77: {  	_ =	shalt  }
0x78: {  	_ =	shalt  }
0x79: {  	_ =	shalt  }
0x7a: {  	_ =	shalt  }
0x7b: {  	_ =	shalt  }
0x7c: {  	_ =	shalt  }
0x7d: {  	_ =	shalt  }
0x7e: {  	_ =	shalt  }
0x7f: {  	_ =	shalt  }
0x80: {  	_ =	shalt  }
0x81: {  	_ =	shalt  }
0x82: {  	_ =	shalt  }
0x83: {  	_ =	shalt  }
0x84: {  	_ =	shalt  }
0x85: {  	_ =	shalt  }
0x86: {  	_ =	shalt  }
0x87: {  	_ =	shalt  }
.Lfunc_end0:
.L_simem_size_0:
called_computation.1_lowered:
.L_overlay_start_0:
0x88: {  	s2 =	sld [smem:$0x3FD9]  }
0x89: {  	s3 =	sld [smem:$0x3FFE];
	_ =	sdelay $0x1  }
0x8a: {  	s1 =	srdreg.scid  }
0x8b: {  	s0 =	sand.u32 $0x1, s1  }
0x8c: {  	s16 =	sshll.u32 s0, $0xA;
	s2 =	sadd.s32 s3, s2  }
0x8d: {  	s2 =	sadd.s32 s2, s16  }
0x8e: {  	[smem:$0x3FC6] =	sst s2  }
0x8f: {  	_ = 	snop  }
0x90: {  	(tm) =	ssettm $0x1  }
0x91: {  	s17 =	sld [smem:$0x3FFB];
	_ =	sdelay $0x3  }
0x92: {  	_ =	strace s17  }
0x93: {  	s2 =	sld [smem:$0x3FFC];
	_ =	sdelay $0x3  }
0x94: {  	_ =	strace s2  }
0x95: {  	s2 =	sld [smem:$0x3FFD];
	_ =	sdelay $0x3  }
0x96: {  	_ =	strace s2  }
0x97: {  	_ =	strace $0x8FFFFFFF  }
0x98: {  	s18 =	sld [smem:$0x3FDB];
	_ =	sdelay $0x1  }
0x99: {  	s19 =	simm.s32 $_scs_section_size  }
0x9a: {  	s4 =	simm.s32 $_size__tile_overlayer_lowered;
	s5 =	simm.s32 $_tile_overlayer_lowered  }
0x9b: {  	s22 =	simm.s32 $0x1BFF;
	s21 =	sshll.u32 s5, $0x1;
	s2 =	sadd.s32 s19, s18  }
0x9c: {  	s6 =	simm.s32 $0x0;
	s20 =	sshll.u32 s4, $0x1;
	s4 =	sadd.s32 s21, s2  }
0x9d: {  	[timem:s6], [sflag:s22] =	dma.local [hbm:s4], s20  }
0x9e: {  	_ =	swait.ge [sflag:s22], s20  }
0x9f: {  	s3 =	ssub.s32 $0x0, s20;
	[sflag:s22] =	ssyncset.done $0x0  }
0xa0: {  	[sflag:s22] =	ssyncadd.s32 s3;
	_ =	sdelay $0x1  }
0xa1: {  	s23 =	simm.s32 $0x1B8B  }
0xa2: {  	_ =	swait.ge [sflag:s23], $0x1  }
0xa3: {  	[sflag:s23] =	ssyncset.done $0x0  }
0xa4: {  	s25 =	simm.s32 $0x1B8E;
	s24 =	sld [smem:$0x3FFE];
	[sflag:s23] =	ssyncadd.s32 $0xFFFFFFFF  }
0xa5: {  	s26 =	simm.s32 $execute0_lowered;
	[smem:$0x3FD2] =	sst s25  }
0xa6: {  	s4 =	sshll.u32 s26, $0x1;
	_ =	strace $0x80000046;
	[dreg:$0x1] =	wrdreg $0xFFFFFFFF  }
0xa7: {  	s28 =	simm.s32 $_size_execute0_lowered;
	s2 =	sadd.s32 s2, s4;
	[dreg:$0x0] =	wrdreg $0x0  }
0xa8: {  	s4 =	sshll.u32 s28, $0x1;
	[dreg:$0x2] =	wrdreg s2  }
0xa9: {  	[dreg:$0x3] =	wrdreg s4  }
0xaa: {  	[dreg:$0x4] =	wrdreg $0xC0  }
0xab: {  	_ =	task [dreg:s6], $0x5FFFF  }
0xac: {  	[dreg:$0x1] =	wrdreg $0xFFFFFFFF  }
0xad: {  	[dreg:$0x0] =	wrdreg $0x60  }
0xae: {  	[dreg:$0x2] =	wrdreg s24  }
0xaf: {  	[dreg:$0x3] =	wrdreg $0x9  }
0xb0: {  	_ =	task.clear_ibuf [dreg:s6], $0x4FFFF;
	_ =	strace $0x90000046  }
0xb1: {  	s29 =	simm.s32 $0x9;
	_ =	strace $0x80000048  }
0xb2: {  	_ =	swait.ge [sflag:s29], $0x1  }
0xb3: {  	[sflag:s29] =	ssyncadd.s32 $0xFFFFFFFF  }
0xb4: {  	_ =	strace $0x90000048  }
0xb5: {  	_ =	sfence  }
0xb6: {  	s30 =	sld [smem:$0x0];
	_ =	sdelay $0x2  }
0xb7: {  	s31 =	sshll.u32 s1, $0xD;
	s1 =	sshrl.u32 s1, $0x2  }
0xb8: {  	s3 =	sand.u32 $0x4000, s31;
	s1 =	sadd.s32 s1, s30  }
0xb9: {  	s0 =	sor.u32 s3, s0;
	s1 =	sshll.u32 s1, $0x11  }
0xba: {  	s0 =	sor.u32 s1, s0  }
0xbb: {  	s0 =	sadd.s32 $0x8F2B, s0  }
0xbc: {  	[sflag:s0] =	ssyncadd.remote.s32 $0x1  }
0xbd: {  	_ =	sfence.sel $0xFFFF  }
0xbe: {  	[dreg:$0x0] =	wrdreg $0xFFFFFFFF;
	(pc) =	sbr.abs _section_cstart, $3  }
0xbf: {  	[dreg:$0x1] =	wrdreg $0xFFFFFFFF  }
0xc0: {  	_ =	task.clear_ibuf [dreg:s6], $0x2FFFF;
	_ =	strace $0x9FFFFFFF  }
0xc1: {  	(tm) =	ssettm $0x7FFFFFFF  }
tec
execute0_lowered:
.L_overlay_start_1:
0x0: {  	(tag) =	ssettag $0x1  }
0x1: {  	s0 =	srdreg.scid  }
0x2: {  	s2 =	stileid.u32;
	s4 =	rddreg [dreg:$0x0]  }
0x3: {  	s10 =	simm.s32 $0x6400;
	s17 =	simm.s32 $0x12400;
	s11 =	simm.s32 $0x19800  }
0x4: {  	s12 =	simm.s32 $0x19C00;
	s13 =	simm.s32 $0x1A400;
	s14 =	simm.s32 $0x1A800  }
0x5: {  	s15 =	simm.s32 $0x1B000;
	s16 =	simm.s32 $0x1B400;
	s18 =	simm.s32 $0x1BC00  }
0x6: {  	s19 =	simm.s32 $0x1C000;
	s20 =	simm.s32 $0x1C800;
	s21 =	simm.s32 $0x1CC00  }
0x7: {  	s22 =	simm.s32 $0x1D400;
	s23 =	simm.s32 $0x1D800;
	s24 =	simm.s32 $0x1E000  }
0x8: {  	s25 =	simm.s32 $0x1;
	s26 =	simm.s32 $0x2;
	s28 =	simm.s32 $0x3  }
0x9: {  	s31 =	simm.s32 $0x0;
	s0 =	sand.u32 $0x1, s0;
	s1 =	sshll.u32 s2, $0x1  }
0xa: {  	s3 =	smul.u32 $0xC800, s2;
	s2 =	simm.s32 $0x0;
	s8 =	sadd.s32 $0x4AD800, s4  }
0xb: {  	s1 =	sor.u32 s0, s1;
	s5 =	smul.u32 $0x6400, s0;
	[smem:$0x7FF] =	sst s2  }
0xc: {  	s0 =	ssub.s32 $0x2, s0;
	s1 =	smul.u32 $0x6400, s1;
	_ =	strace $0x80000047  }
0xd: {  	s7 =	sshrl.u32 s0, $0x1;
	s5 =	sadd.s32 s5, s3;
	s3 =	sadd.s32 $0x19800, s4  }
0xe: {  	s0 =	ssub.s32 s0, s7;
	s6 =	sor.u32 $0x80, s5;
	s5 =	sshrl.u32 s5, $0x3  }
0xf: {  	s1 =	sshrl.u32 s1, $0x3;
	s0 =	smax.u32 s0, $0x1;
	s9 =	smul.u32 $0x180, s5  }
.Ltmp0:
0x10: {  	s1 =	sadd.s32 s1, s4;
	s6 =	sshrl.u32 s6, $0x3;
	(pc) =	sbr.rel .LBB2_1-.Ltmp0, $4  }
0x11: {  	s5 =	sadd.s32 $0x19900, s4;
	[dreg:$0x3] =	wrdreg s0;
	s6 =	smul.u32 $0x180, s6  }
0x12: {  	v2 =	vlaneseq.u32;
	s0 =	simm.s32 $0x18000;
	s4 =	simm.s32 $0x18400;
	s1 =	sadd.s32 $0x800, s1  }
0x13: {  	vm0 =	vmmov $0xffff;
	vm1 =	vmmov $0xff;
	v1 =	vshrl.u32 v2, $0x3;
	[dreg:$0x2] =	wrdreg s1;
	s1 =	simm.s32 $0x17800;
	s7 =	sadd.s32 s6, s8  }
0x14: {  	v0 =	vand.u32 $0x7, v2;
	v2 =	vor.u32 $0x8, v2;
	v1 =	vmul.u32 $0x8, v1;
	s8 =	sadd.s32 s9, s8;
	s6 =	simm.s32 $0x18C00;
	s9 =	simm.s32 $0x19000  }
.LBB2_5:
0x15: {  	_ =	swait.ge [sflag:s28], $0xC000  }
0x16: {  	[sflag:s28] =	ssyncset.done $0x0  }
0x17: {  	s30 =	simm.s32 $0x4;
	[sflag:s28] =	ssyncadd.s32 $0xFFFF4000  }
0x18: {  	_ =	swait.ge [sflag:s30], $0xC000  }
0x19: {  	s31 =	rddreg [dreg:$0x4]  }
0x1a: {  	s29 =	rddreg [dreg:$0x3];
	s31 =	sadd.s32 $0x1, s31  }
0x1b: {  	p0 =	sne.s32 s31, s29  }
.Ltmp1:
0x1c: {  	_ = 	snop;
	(pc) =	sbr.rel @!p0 .LBB2_6-.Ltmp1, $3  }
0x1d: {  	_ =	sdelay $0x1  }
0x1e: {  	[sflag:s30] =	ssyncset.done $0x0  }
0x1f: {  	[sflag:s30] =	ssyncadd.s32 $0xFFFF4000  }
.LBB2_1:
0x20: {  	s29 =	rddreg [dreg:$0x2]  }
0x21: {  	[tilespmem:s2], [sflag:$0x5] =	stream.linear.gather [hbm4b:s29+s2], $0x6400, $0x38;
	[tilespmem:$0x1E400] =	vst v63  }
0x22: {  	[dreg:$0x4] =	wrdreg s31;
	s29 =	simm.s32 $0x5  }
0x23: {  	_ =	swait.ge [sflag:s29], $0x6400  }
0x24: {  	[sflag:s29] =	ssyncset.done $0x0  }
0x25: {  	[sflag:s29] =	ssyncadd.s32 $0xFFFF9C00  }
0x26: {  	v3 =	vld [tilespmem:$0x0];
	_ =	sdelay $0x4  }
0x27: {  	v4 =	vshrl.u32 v3, $0x3  }
0x28: {  	v4 =	vmul.u32 $0x18, v4  }
0x29: {  	v3 =	vand.u32 $0x7, v3  }
0x2a: {  	v3 =	vor.u32 v3, v4  }
0x2b: {  	v4 =	vperm.xlane v3, v0;
	_ =	sdelay $0x1  }
0x2c: {  	v4 =	vadd.s32 v1, v4;
	_ =	sdelay $0x1  }
0x2d: {  	v3 =	vperm.xlane v3, v2;
	_ =	sdelay $0x1  }
0x2e: {  	v3 =	vadd.s32 v1, v3  }
0x2f: {  	[tilespmem:s10], [sflag:$0x1] =	stream.indirect_vreg.gather [hbm4b:s3+s2], $0x80, v4, vm0, $0xb8;
	[tilespmem:$0x1E400] =	vst v63  }
0x30: {  	s29 =	simm.s32 $0x6C00  }
0x31: {  	[tilespmem:s29], [sflag:$0x1] =	stream.indirect_vreg.gather [hbm4b:s5+s2], $0x80, v4, vm1, $0xb8;
	[tilespmem:$0x1E400] =	vst v63  }
0x32: {  	s29 =	simm.s32 $0x7000  }
0x33: {  	[tilespmem:s29], [sflag:$0x1] =	stream.indirect_vreg.gather [hbm4b:s3+s2], $0x80, v3, vm0, $0xb8;
	[tilespmem:$0x1E400] =	vst v63  }
0x34: {  	s29 =	simm.s32 $0x7800  }
0x35: {  	[tilespmem:s29], [sflag:$0x1] =	stream.indirect_vreg.gather [hbm4b:s5+s2], $0x80, v3, vm1, $0xb8;
	[tilespmem:$0x1E400] =	vst v63  }
0x36: {  	v3 =	vld [tilespmem:$0x10];
	_ =	sdelay $0x4  }
0x37: {  	v57 =	vshrl.u32 v3, $0x3  }
0x38: {  	v4 =	vmul.u32 $0x18, v57  }
0x39: {  	v3 =	vand.u32 $0x7, v3  }
0x3a: {  	v3 =	vor.u32 v3, v4  }
0x3b: {  	v4 =	vperm.xlane v3, v0;
	_ =	sdelay $0x1  }
0x3c: {  	v4 =	vadd.s32 v1, v4;
	_ =	sdelay $0x1  }
0x3d: {  	v3 =	vperm.xlane v3, v2;
	_ =	sdelay $0x1  }
0x3e: {  	s29 =	simm.s32 $0x7C00;
	v3 =	vadd.s32 v1, v3  }
0x3f: {  	[tilespmem:s29], [sflag:$0x1] =	stream.indirect_vreg.gather [hbm4b:s3+s2], $0x80, v4, vm0, $0xb8;
	[tilespmem:$0x1E400] =	vst v63  }
0x40: {  	s29 =	simm.s32 $0x8400  }
0x41: {  	[tilespmem:s29], [sflag:$0x1] =	stream.indirect_vreg.gather [hbm4b:s5+s2], $0x80, v4, vm1, $0xb8;
	[tilespmem:$0x1E400] =	vst v63  }
0x42: {  	s29 =	simm.s32 $0x8800  }
0x43: {  	[tilespmem:s29], [sflag:$0x1] =	stream.indirect_vreg.gather [hbm4b:s3+s2], $0x80, v3, vm0, $0xb8;
	[tilespmem:$0x1E400] =	vst v63  }
0x44: {  	s29 =	simm.s32 $0x9000  }
0x45: {  	[tilespmem:s29], [sflag:$0x1] =	stream.indirect_vreg.gather [hbm4b:s5+s2], $0x80, v3, vm1, $0xb8;
	[tilespmem:$0x1E400] =	vst v63  }
0x46: {  	v3 =	vld [tilespmem:$0x20];
	_ =	sdelay $0x4  }
0x47: {  	v58 =	vshrl.u32 v3, $0x3  }
0x48: {  	v4 =	vmul.u32 $0x18, v58  }
0x49: {  	v3 =	vand.u32 $0x7, v3  }
0x4a: {  	v3 =	vor.u32 v3, v4  }
0x4b: {  	v4 =	vperm.xlane v3, v0;
	_ =	sdelay $0x1  }
0x4c: {  	v4 =	vadd.s32 v1, v4;
	_ =	sdelay $0x1  }
0x4d: {  	v3 =	vperm.xlane v3, v2;
	_ =	sdelay $0x1  }
0x4e: {  	s29 =	simm.s32 $0x9400;
	v3 =	vadd.s32 v1, v3  }
0x4f: {  	[tilespmem:s29], [sflag:$0x1] =	stream.indirect_vreg.gather [hbm4b:s3+s2], $0x80, v4, vm0, $0xb8;
	[tilespmem:$0x1E400] =	vst v63  }
0x50: {  	s29 =	simm.s32 $0x9C00  }
0x51: {  	[tilespmem:s29], [sflag:$0x1] =	stream.indirect_vreg.gather [hbm4b:s5+s2], $0x80, v4, vm1, $0xb8;
	[tilespmem:$0x1E400] =	vst v63  }
0x52: {  	s29 =	simm.s32 $0xA000  }
0x53: {  	[tilespmem:s29], [sflag:$0x1] =	stream.indirect_vreg.gather [hbm4b:s3+s2], $0x80, v3, vm0, $0xb8;
	[tilespmem:$0x1E400] =	vst v63  }
0x54: {  	s29 =	simm.s32 $0xA800  }
0x55: {  	[tilespmem:s29], [sflag:$0x1] =	stream.indirect_vreg.gather [hbm4b:s5+s2], $0x80, v3, vm1, $0xb8;
	[tilespmem:$0x1E400] =	vst v63  }
0x56: {  	v3 =	vld [tilespmem:$0x30];
	_ =	sdelay $0x4  }
0x57: {  	v59 =	vshrl.u32 v3, $0x3  }
0x58: {  	v4 =	vmul.u32 $0x18, v59  }
0x59: {  	v3 =	vand.u32 $0x7, v3  }
0x5a: {  	v3 =	vor.u32 v3, v4  }
0x5b: {  	v4 =	vperm.xlane v3, v0;
	_ =	sdelay $0x1  }
0x5c: {  	v4 =	vadd.s32 v1, v4;
	_ =	sdelay $0x1  }
0x5d: {  	v3 =	vperm.xlane v3, v2;
	_ =	sdelay $0x1  }
0x5e: {  	s29 =	simm.s32 $0xAC00;
	v3 =	vadd.s32 v1, v3  }
0x5f: {  	[tilespmem:s29], [sflag:$0x1] =	stream.indirect_vreg.gather [hbm4b:s3+s2], $0x80, v4, vm0, $0xb8;
	[tilespmem:$0x1E400] =	vst v63  }
0x60: {  	s29 =	simm.s32 $0xB400  }
0x61: {  	[tilespmem:s29], [sflag:$0x1] =	stream.indirect_vreg.gather [hbm4b:s5+s2], $0x80, v4, vm1, $0xb8;
	[tilespmem:$0x1E400] =	vst v63  }
0x62: {  	s29 =	simm.s32 $0xB800  }
0x63: {  	[tilespmem:s29], [sflag:$0x1] =	stream.indirect_vreg.gather [hbm4b:s3+s2], $0x80, v3, vm0, $0xb8;
	[tilespmem:$0x1E400] =	vst v63  }
0x64: {  	s29 =	simm.s32 $0xC000  }
0x65: {  	[tilespmem:s29], [sflag:$0x1] =	stream.indirect_vreg.gather [hbm4b:s5+s2], $0x80, v3, vm1, $0xb8;
	[tilespmem:$0x1E400] =	vst v63  }
0x66: {  	v3 =	vld [tilespmem:$0x40];
	_ =	sdelay $0x4  }
0x67: {  	v60 =	vshrl.u32 v3, $0x3  }
0x68: {  	v4 =	vmul.u32 $0x18, v60  }
0x69: {  	v3 =	vand.u32 $0x7, v3  }
0x6a: {  	v3 =	vor.u32 v3, v4  }
0x6b: {  	v4 =	vperm.xlane v3, v0;
	_ =	sdelay $0x1  }
0x6c: {  	v4 =	vadd.s32 v1, v4;
	_ =	sdelay $0x1  }
0x6d: {  	v3 =	vperm.xlane v3, v2;
	_ =	sdelay $0x1  }
0x6e: {  	s29 =	simm.s32 $0xC400;
	v3 =	vadd.s32 v1, v3  }
0x6f: {  	[tilespmem:s29], [sflag:$0x1] =	stream.indirect_vreg.gather [hbm4b:s3+s2], $0x80, v4, vm0, $0xb8;
	[tilespmem:$0x1E400] =	vst v63  }
0x70: {  	s29 =	simm.s32 $0xCC00  }
0x71: {  	[tilespmem:s29], [sflag:$0x1] =	stream.indirect_vreg.gather [hbm4b:s5+s2], $0x80, v4, vm1, $0xb8;
	[tilespmem:$0x1E400] =	vst v63  }
0x72: {  	s29 =	simm.s32 $0xD000  }
0x73: {  	[tilespmem:s29], [sflag:$0x1] =	stream.indirect_vreg.gather [hbm4b:s3+s2], $0x80, v3, vm0, $0xb8;
	[tilespmem:$0x1E400] =	vst v63  }
0x74: {  	s29 =	simm.s32 $0xD800  }
0x75: {  	[tilespmem:s29], [sflag:$0x1] =	stream.indirect_vreg.gather [hbm4b:s5+s2], $0x80, v3, vm1, $0xb8;
	[tilespmem:$0x1E400] =	vst v63  }
0x76: {  	v3 =	vld [tilespmem:$0x50];
	_ =	sdelay $0x4  }
0x77: {  	v61 =	vshrl.u32 v3, $0x3  }
0x78: {  	v4 =	vmul.u32 $0x18, v61  }
0x79: {  	v3 =	vand.u32 $0x7, v3  }
0x7a: {  	v3 =	vor.u32 v3, v4  }
0x7b: {  	v4 =	vperm.xlane v3, v0;
	_ =	sdelay $0x1  }
0x7c: {  	v4 =	vadd.s32 v1, v4;
	_ =	sdelay $0x1  }
0x7d: {  	v3 =	vperm.xlane v3, v2;
	_ =	sdelay $0x1  }
0x7e: {  	s29 =	simm.s32 $0xDC00;
	v3 =	vadd.s32 v1, v3  }
0x7f: {  	[tilespmem:s29], [sflag:$0x1] =	stream.indirect_vreg.gather [hbm4b:s3+s2], $0x80, v4, vm0, $0xb8;
	[tilespmem:$0x1E400] =	vst v63  }
0x80: {  	s29 =	simm.s32 $0xE400  }
0x81: {  	[tilespmem:s29], [sflag:$0x1] =	stream.indirect_vreg.gather [hbm4b:s5+s2], $0x80, v4, vm1, $0xb8;
	[tilespmem:$0x1E400] =	vst v63  }
0x82: {  	s29 =	simm.s32 $0xE800  }
0x83: {  	[tilespmem:s29], [sflag:$0x1] =	stream.indirect_vreg.gather [hbm4b:s3+s2], $0x80, v3, vm0, $0xb8;
	[tilespmem:$0x1E400] =	vst v63  }
0x84: {  	s29 =	simm.s32 $0xF000  }
0x85: {  	[tilespmem:s29], [sflag:$0x1] =	stream.indirect_vreg.gather [hbm4b:s5+s2], $0x80, v3, vm1, $0xb8;
	[tilespmem:$0x1E400] =	vst v63  }
0x86: {  	v3 =	vld [tilespmem:$0x60];
	_ =	sdelay $0x4  }
0x87: {  	v62 =	vshrl.u32 v3, $0x3  }
0x88: {  	v4 =	vmul.u32 $0x18, v62  }
0x89: {  	v3 =	vand.u32 $0x7, v3  }
0x8a: {  	v3 =	vor.u32 v3, v4  }
0x8b: {  	v4 =	vperm.xlane v3, v0;
	_ =	sdelay $0x1  }
0x8c: {  	v4 =	vadd.s32 v1, v4;
	_ =	sdelay $0x1  }
0x8d: {  	v3 =	vperm.xlane v3, v2;
	_ =	sdelay $0x1  }
0x8e: {  	s29 =	simm.s32 $0xF400;
	v3 =	vadd.s32 v1, v3  }
0x8f: {  	[tilespmem:s29], [sflag:$0x1] =	stream.indirect_vreg.gather [hbm4b:s3+s2], $0x80, v4, vm0, $0xb8;
	[tilespmem:$0x1E400] =	vst v63  }
0x90: {  	s29 =	simm.s32 $0xFC00  }
0x91: {  	[tilespmem:s29], [sflag:$0x1] =	stream.indirect_vreg.gather [hbm4b:s5+s2], $0x80, v4, vm1, $0xb8;
	[tilespmem:$0x1E400] =	vst v63  }
0x92: {  	s29 =	simm.s32 $0x10000  }
0x93: {  	[tilespmem:s29], [sflag:$0x1] =	stream.indirect_vreg.gather [hbm4b:s3+s2], $0x80, v3, vm0, $0xb8;
	[tilespmem:$0x1E400] =	vst v63  }
0x94: {  	s29 =	simm.s32 $0x10800  }
0x95: {  	[tilespmem:s29], [sflag:$0x1] =	stream.indirect_vreg.gather [hbm4b:s5+s2], $0x80, v3, vm1, $0xb8;
	[tilespmem:$0x1E400] =	vst v63  }
0x96: {  	v3 =	vld [tilespmem:$0x70];
	_ =	sdelay $0x4  }
0x97: {  	v63 =	vshrl.u32 v3, $0x3  }
0x98: {  	v4 =	vmul.u32 $0x18, v63  }
0x99: {  	v3 =	vand.u32 $0x7, v3  }
0x9a: {  	v3 =	vor.u32 v3, v4  }
0x9b: {  	v4 =	vperm.xlane v3, v0;
	_ =	sdelay $0x1  }
0x9c: {  	v4 =	vadd.s32 v1, v4;
	_ =	sdelay $0x1  }
0x9d: {  	v3 =	vperm.xlane v3, v2;
	_ =	sdelay $0x1  }
0x9e: {  	s29 =	simm.s32 $0x10C00;
	v3 =	vadd.s32 v1, v3  }
0x9f: {  	[tilespmem:s29], [sflag:$0x1] =	stream.indirect_vreg.gather [hbm4b:s3+s2], $0x80, v4, vm0, $0xb8;
	[tilespmem:$0x1E400] =	vst v63  }
0xa0: {  	s29 =	simm.s32 $0x11400  }
0xa1: {  	[tilespmem:s29], [sflag:$0x1] =	stream.indirect_vreg.gather [hbm4b:s5+s2], $0x80, v4, vm1, $0xb8;
	[tilespmem:$0x1E400] =	vst v63  }
.Ltmp2:
0xa2: {  	s29 =	simm.s32 $0x11800;
	(pc) =	sbr.rel .LBB2_2-.Ltmp2, $4  }
0xa3: {  	[tilespmem:s29], [sflag:$0x1] =	stream.indirect_vreg.gather [hbm4b:s3+s2], $0x80, v3, vm0, $0xb8;
	[tilespmem:$0x1E400] =	vst v63  }
0xa4: {  	s29 =	simm.s32 $0x12000  }
0xa5: {  	[tilespmem:s29], [sflag:$0x1] =	stream.indirect_vreg.gather [hbm4b:s5+s2], $0x80, v3, vm1, $0xb8;
	[tilespmem:$0x1E400] =	vst v63  }
0xa6: {  	s30 =	simm.s32 $0x0;
	s29 =	simm.s32 $0xC0  }
.LBB2_4:
0xa7: {  	s31 =	sadd.s32 s30, s7;
	s30 =	sadd.s32 $0x3000, s30  }
0xa8: {  	p0 =	sne.s32 s30, $0x12C000  }
.Ltmp3:
0xa9: {  	_ = 	snop;
	(pc) =	sbr.rel @!p0 .LBB2_5-.Ltmp3, $4  }
0xaa: {  	_ =	swait.ge [sflag:s26], $0xC000  }
0xab: {  	[sflag:s26] =	ssyncset.done $0x0  }
0xac: {  	s29 =	sadd.s32 $0x100, s29;
	[sflag:s26] =	ssyncadd.s32 $0xFFFF4000  }
0xad: {  	[hbm4b:s31+s2] =	stream.linear.scatter [tilespmem:s17], [sflag:$0x4], $0xC000, $0x38;
	[tilespmem:$0x1E400] =	vst v63  }
.LBB2_2:
0xae: {  	p0 =	seq.s32 s30, $0x0  }
0xaf: {  	s31 =	simm.s32 @!p0 $0x4  }
0xb0: {  	_ =	swait.ge @!p0 [sflag:s31], $0xC000  }
0xb1: {  	[sflag:s31] =	ssyncset.done @!p0 $0x0  }
0xb2: {  	[sflag:s31] =	ssyncadd.s32 @!p0 $0xFFFF4000  }
0xb3: {  	v3 =	vld [tilespmem:s29+$0xFFFFFFC0];
	_ =	sdelay $0x4  }
0xb4: {  	v4 =	vshrl.u32 v3, $0x3  }
0xb5: {  	v4 =	vmul.u32 $0x18, v4  }
0xb6: {  	v3 =	vand.u32 $0x7, v3  }
0xb7: {  	v3 =	vor.u32 v3, v4  }
0xb8: {  	v4 =	vperm.xlane v3, v0;
	_ =	sdelay $0x1  }
0xb9: {  	v4 =	vadd.s32 v1, v4;
	_ =	sdelay $0x1  }
0xba: {  	v3 =	vperm.xlane v3, v2;
	_ =	sdelay $0x1  }
0xbb: {  	v3 =	vadd.s32 v1, v3  }
0xbc: {  	[tilespmem:s17], [sflag:$0x2] =	stream.indirect_vreg.gather [hbm4b:s3+s2], $0x80, v4, vm0, $0xb8;
	[tilespmem:$0x1E400] =	vst v63  }
0xbd: {  	s31 =	simm.s32 $0x12C00  }
0xbe: {  	[tilespmem:s31], [sflag:$0x2] =	stream.indirect_vreg.gather [hbm4b:s5+s2], $0x80, v4, vm1, $0xb8;
	[tilespmem:$0x1E400] =	vst v63  }
0xbf: {  	s31 =	simm.s32 $0x13000  }
0xc0: {  	[tilespmem:s31], [sflag:$0x2] =	stream.indirect_vreg.gather [hbm4b:s3+s2], $0x80, v3, vm0, $0xb8;
	[tilespmem:$0x1E400] =	vst v63  }
0xc1: {  	s31 =	simm.s32 $0x13800  }
0xc2: {  	[tilespmem:s31], [sflag:$0x2] =	stream.indirect_vreg.gather [hbm4b:s5+s2], $0x80, v3, vm1, $0xb8;
	[tilespmem:$0x1E400] =	vst v63  }
0xc3: {  	v3 =	vld [tilespmem:s29+$0xFFFFFFD0];
	_ =	sdelay $0x4  }
0xc4: {  	v57 =	vshrl.u32 v3, $0x3  }
0xc5: {  	v4 =	vmul.u32 $0x18, v57  }
0xc6: {  	v3 =	vand.u32 $0x7, v3  }
0xc7: {  	v3 =	vor.u32 v3, v4  }
0xc8: {  	v4 =	vperm.xlane v3, v0;
	_ =	sdelay $0x1  }
0xc9: {  	v4 =	vadd.s32 v1, v4;
	_ =	sdelay $0x1  }
0xca: {  	v3 =	vperm.xlane v3, v2;
	_ =	sdelay $0x1  }
0xcb: {  	s31 =	simm.s32 $0x13C00;
	v3 =	vadd.s32 v1, v3  }
0xcc: {  	[tilespmem:s31], [sflag:$0x2] =	stream.indirect_vreg.gather [hbm4b:s3+s2], $0x80, v4, vm0, $0xb8;
	[tilespmem:$0x1E400] =	vst v63  }
0xcd: {  	s31 =	simm.s32 $0x14400  }
0xce: {  	[tilespmem:s31], [sflag:$0x2] =	stream.indirect_vreg.gather [hbm4b:s5+s2], $0x80, v4, vm1, $0xb8;
	[tilespmem:$0x1E400] =	vst v63  }
0xcf: {  	s31 =	simm.s32 $0x14800  }
0xd0: {  	[tilespmem:s31], [sflag:$0x2] =	stream.indirect_vreg.gather [hbm4b:s3+s2], $0x80, v3, vm0, $0xb8;
	[tilespmem:$0x1E400] =	vst v63  }
0xd1: {  	s31 =	simm.s32 $0x15000  }
0xd2: {  	[tilespmem:s31], [sflag:$0x2] =	stream.indirect_vreg.gather [hbm4b:s5+s2], $0x80, v3, vm1, $0xb8;
	[tilespmem:$0x1E400] =	vst v63  }
0xd3: {  	v3 =	vld [tilespmem:s29+$0xFFFFFFE0];
	_ =	sdelay $0x4  }
0xd4: {  	v58 =	vshrl.u32 v3, $0x3  }
0xd5: {  	v4 =	vmul.u32 $0x18, v58  }
0xd6: {  	v3 =	vand.u32 $0x7, v3  }
0xd7: {  	v3 =	vor.u32 v3, v4  }
0xd8: {  	v4 =	vperm.xlane v3, v0;
	_ =	sdelay $0x1  }
0xd9: {  	v4 =	vadd.s32 v1, v4;
	_ =	sdelay $0x1  }
0xda: {  	v3 =	vperm.xlane v3, v2;
	_ =	sdelay $0x1  }
0xdb: {  	s31 =	simm.s32 $0x15400;
	v3 =	vadd.s32 v1, v3  }
0xdc: {  	[tilespmem:s31], [sflag:$0x2] =	stream.indirect_vreg.gather [hbm4b:s3+s2], $0x80, v4, vm0, $0xb8;
	[tilespmem:$0x1E400] =	vst v63  }
0xdd: {  	s31 =	simm.s32 $0x15C00  }
0xde: {  	[tilespmem:s31], [sflag:$0x2] =	stream.indirect_vreg.gather [hbm4b:s5+s2], $0x80, v4, vm1, $0xb8;
	[tilespmem:$0x1E400] =	vst v63  }
0xdf: {  	s31 =	simm.s32 $0x16000  }
0xe0: {  	[tilespmem:s31], [sflag:$0x2] =	stream.indirect_vreg.gather [hbm4b:s3+s2], $0x80, v3, vm0, $0xb8;
	[tilespmem:$0x1E400] =	vst v63  }
0xe1: {  	s31 =	simm.s32 $0x16800  }
0xe2: {  	[tilespmem:s31], [sflag:$0x2] =	stream.indirect_vreg.gather [hbm4b:s5+s2], $0x80, v3, vm1, $0xb8;
	[tilespmem:$0x1E400] =	vst v63  }
0xe3: {  	v3 =	vld [tilespmem:s29+$0xFFFFFFF0];
	_ =	sdelay $0x4  }
0xe4: {  	v59 =	vshrl.u32 v3, $0x3  }
0xe5: {  	v4 =	vmul.u32 $0x18, v59  }
0xe6: {  	v3 =	vand.u32 $0x7, v3  }
0xe7: {  	v3 =	vor.u32 v3, v4  }
0xe8: {  	v4 =	vperm.xlane v3, v0;
	_ =	sdelay $0x1  }
0xe9: {  	v4 =	vadd.s32 v1, v4;
	_ =	sdelay $0x1  }
0xea: {  	v3 =	vperm.xlane v3, v2;
	_ =	sdelay $0x1  }
0xeb: {  	s31 =	simm.s32 $0x16C00;
	v3 =	vadd.s32 v1, v3  }
0xec: {  	[tilespmem:s31], [sflag:$0x2] =	stream.indirect_vreg.gather [hbm4b:s3+s2], $0x80, v4, vm0, $0xb8;
	[tilespmem:$0x1E400] =	vst v63  }
0xed: {  	s31 =	simm.s32 $0x17400  }
0xee: {  	[tilespmem:s31], [sflag:$0x2] =	stream.indirect_vreg.gather [hbm4b:s5+s2], $0x80, v4, vm1, $0xb8;
	[tilespmem:$0x1E400] =	vst v63  }
0xef: {  	_ = 	snop  }
0xf0: {  	[tilespmem:s1], [sflag:$0x2] =	stream.indirect_vreg.gather [hbm4b:s3+s2], $0x80, v3, vm0, $0xb8;
	[tilespmem:$0x1E400] =	vst v63  }
0xf1: {  	_ = 	snop  }
0xf2: {  	[tilespmem:s0], [sflag:$0x2] =	stream.indirect_vreg.gather [hbm4b:s5+s2], $0x80, v3, vm1, $0xb8;
	[tilespmem:$0x1E400] =	vst v63  }
0xf3: {  	v3 =	vld [tilespmem:s29+$0x0];
	_ =	sdelay $0x4  }
0xf4: {  	v60 =	vshrl.u32 v3, $0x3  }
0xf5: {  	v4 =	vmul.u32 $0x18, v60  }
0xf6: {  	v3 =	vand.u32 $0x7, v3  }
0xf7: {  	v3 =	vor.u32 v3, v4  }
0xf8: {  	v4 =	vperm.xlane v3, v0;
	_ =	sdelay $0x1  }
0xf9: {  	v4 =	vadd.s32 v1, v4;
	_ =	sdelay $0x1  }
0xfa: {  	v3 =	vperm.xlane v3, v2;
	_ =	sdelay $0x1  }
0xfb: {  	v3 =	vadd.s32 v1, v3  }
0xfc: {  	[tilespmem:s4], [sflag:$0x2] =	stream.indirect_vreg.gather [hbm4b:s3+s2], $0x80, v4, vm0, $0xb8;
	[tilespmem:$0x1E400] =	vst v63  }
0xfd: {  	_ = 	snop  }
0xfe: {  	[tilespmem:s6], [sflag:$0x2] =	stream.indirect_vreg.gather [hbm4b:s5+s2], $0x80, v4, vm1, $0xb8;
	[tilespmem:$0x1E400] =	vst v63  }
0xff: {  	_ = 	snop  }
0x100: {  	[tilespmem:s9], [sflag:$0x2] =	stream.indirect_vreg.gather [hbm4b:s3+s2], $0x80, v3, vm0, $0xb8;
	[tilespmem:$0x1E400] =	vst v63  }
0x101: {  	_ = 	snop  }
0x102: {  	[tilespmem:s11], [sflag:$0x2] =	stream.indirect_vreg.gather [hbm4b:s5+s2], $0x80, v3, vm1, $0xb8;
	[tilespmem:$0x1E400] =	vst v63  }
0x103: {  	v3 =	vld [tilespmem:s29+$0x10];
	_ =	sdelay $0x4  }
0x104: {  	v61 =	vshrl.u32 v3, $0x3  }
0x105: {  	v4 =	vmul.u32 $0x18, v61  }
0x106: {  	v3 =	vand.u32 $0x7, v3  }
0x107: {  	v3 =	vor.u32 v3, v4  }
0x108: {  	v4 =	vperm.xlane v3, v0;
	_ =	sdelay $0x1  }
0x109: {  	v4 =	vadd.s32 v1, v4;
	_ =	sdelay $0x1  }
0x10a: {  	v3 =	vperm.xlane v3, v2;
	_ =	sdelay $0x1  }
0x10b: {  	v3 =	vadd.s32 v1, v3  }
0x10c: {  	[tilespmem:s12], [sflag:$0x2] =	stream.indirect_vreg.gather [hbm4b:s3+s2], $0x80, v4, vm0, $0xb8;
	[tilespmem:$0x1E400] =	vst v63  }
0x10d: {  	_ = 	snop  }
0x10e: {  	[tilespmem:s13], [sflag:$0x2] =	stream.indirect_vreg.gather [hbm4b:s5+s2], $0x80, v4, vm1, $0xb8;
	[tilespmem:$0x1E400] =	vst v63  }
0x10f: {  	_ = 	snop  }
0x110: {  	[tilespmem:s14], [sflag:$0x2] =	stream.indirect_vreg.gather [hbm4b:s3+s2], $0x80, v3, vm0, $0xb8;
	[tilespmem:$0x1E400] =	vst v63  }
0x111: {  	_ = 	snop  }
0x112: {  	[tilespmem:s15], [sflag:$0x2] =	stream.indirect_vreg.gather [hbm4b:s5+s2], $0x80, v3, vm1, $0xb8;
	[tilespmem:$0x1E400] =	vst v63  }
0x113: {  	v3 =	vld [tilespmem:s29+$0x20];
	_ =	sdelay $0x4  }
0x114: {  	v62 =	vshrl.u32 v3, $0x3  }
0x115: {  	v4 =	vmul.u32 $0x18, v62  }
0x116: {  	v3 =	vand.u32 $0x7, v3  }
0x117: {  	v3 =	vor.u32 v3, v4  }
0x118: {  	v4 =	vperm.xlane v3, v0;
	_ =	sdelay $0x1  }
0x119: {  	v4 =	vadd.s32 v1, v4;
	_ =	sdelay $0x1  }
0x11a: {  	v3 =	vperm.xlane v3, v2;
	_ =	sdelay $0x1  }
0x11b: {  	v3 =	vadd.s32 v1, v3  }
0x11c: {  	[tilespmem:s16], [sflag:$0x2] =	stream.indirect_vreg.gather [hbm4b:s3+s2], $0x80, v4, vm0, $0xb8;
	[tilespmem:$0x1E400] =	vst v63  }
0x11d: {  	_ = 	snop  }
0x11e: {  	[tilespmem:s18], [sflag:$0x2] =	stream.indirect_vreg.gather [hbm4b:s5+s2], $0x80, v4, vm1, $0xb8;
	[tilespmem:$0x1E400] =	vst v63  }
0x11f: {  	_ = 	snop  }
0x120: {  	[tilespmem:s19], [sflag:$0x2] =	stream.indirect_vreg.gather [hbm4b:s3+s2], $0x80, v3, vm0, $0xb8;
	[tilespmem:$0x1E400] =	vst v63  }
0x121: {  	_ = 	snop  }
0x122: {  	[tilespmem:s20], [sflag:$0x2] =	stream.indirect_vreg.gather [hbm4b:s5+s2], $0x80, v3, vm1, $0xb8;
	[tilespmem:$0x1E400] =	vst v63  }
0x123: {  	v3 =	vld [tilespmem:s29+$0x30];
	_ =	sdelay $0x4  }
0x124: {  	v63 =	vshrl.u32 v3, $0x3  }
0x125: {  	v4 =	vmul.u32 $0x18, v63  }
0x126: {  	v3 =	vand.u32 $0x7, v3  }
0x127: {  	v3 =	vor.u32 v3, v4  }
0x128: {  	v4 =	vperm.xlane v3, v0;
	_ =	sdelay $0x1  }
0x129: {  	v4 =	vadd.s32 v1, v4;
	_ =	sdelay $0x1  }
0x12a: {  	v3 =	vperm.xlane v3, v2;
	_ =	sdelay $0x1  }
0x12b: {  	v3 =	vadd.s32 v1, v3  }
0x12c: {  	[tilespmem:s21], [sflag:$0x2] =	stream.indirect_vreg.gather [hbm4b:s3+s2], $0x80, v4, vm0, $0xb8;
	[tilespmem:$0x1E400] =	vst v63  }
0x12d: {  	_ = 	snop  }
0x12e: {  	[tilespmem:s22], [sflag:$0x2] =	stream.indirect_vreg.gather [hbm4b:s5+s2], $0x80, v4, vm1, $0xb8;
	[tilespmem:$0x1E400] =	vst v63  }
0x12f: {  	_ = 	snop  }
0x130: {  	[tilespmem:s23], [sflag:$0x2] =	stream.indirect_vreg.gather [hbm4b:s3+s2], $0x80, v3, vm0, $0xb8;
	[tilespmem:$0x1E400] =	vst v63  }
0x131: {  	p0 =	seq.s32 s30, $0x129000  }
0x132: {  	[tilespmem:s24], [sflag:$0x2] =	stream.indirect_vreg.gather [hbm4b:s5+s2], $0x80, v3, vm1, $0xb8;
	[tilespmem:$0x1E400] =	vst v63  }
.Ltmp4:
0x133: {  	_ = 	snop;
	(pc) =	sbr.rel @p0 .LBB2_4-.Ltmp4, $4  }
0x134: {  	_ =	swait.ge [sflag:s25], $0xC000  }
0x135: {  	[sflag:s25] =	ssyncset.done $0x0  }
0x136: {  	s31 =	sadd.s32 s30, s8;
	[sflag:s25] =	ssyncadd.s32 $0xFFFF4000  }
0x137: {  	[hbm4b:s31+s2] =	stream.linear.scatter [tilespmem:s10], [sflag:$0x3], $0xC000, $0x38;
	[tilespmem:$0x1E400] =	vst v63  }
0x138: {  	_ =	swait.ge [sflag:s28], $0xC000  }
0x139: {  	[sflag:s28] =	ssyncset.done $0x0  }
0x13a: {  	[sflag:s28] =	ssyncadd.s32 $0xFFFF4000  }
0x13b: {  	v3 =	vld [tilespmem:s29+$0x40];
	_ =	sdelay $0x4  }
0x13c: {  	v4 =	vshrl.u32 v3, $0x3  }
0x13d: {  	v4 =	vmul.u32 $0x18, v4  }
0x13e: {  	v3 =	vand.u32 $0x7, v3  }
0x13f: {  	v3 =	vor.u32 v3, v4  }
0x140: {  	v4 =	vperm.xlane v3, v0;
	_ =	sdelay $0x1  }
0x141: {  	v4 =	vadd.s32 v1, v4;
	_ =	sdelay $0x1  }
0x142: {  	v3 =	vperm.xlane v3, v2;
	_ =	sdelay $0x1  }
0x143: {  	v3 =	vadd.s32 v1, v3  }
0x144: {  	[tilespmem:s10], [sflag:$0x1] =	stream.indirect_vreg.gather [hbm4b:s3+s2], $0x80, v4, vm0, $0xb8;
	[tilespmem:$0x1E400] =	vst v63  }
0x145: {  	s31 =	simm.s32 $0x6C00  }
0x146: {  	[tilespmem:s31], [sflag:$0x1] =	stream.indirect_vreg.gather [hbm4b:s5+s2], $0x80, v4, vm1, $0xb8;
	[tilespmem:$0x1E400] =	vst v63  }
0x147: {  	s31 =	simm.s32 $0x7000  }
0x148: {  	[tilespmem:s31], [sflag:$0x1] =	stream.indirect_vreg.gather [hbm4b:s3+s2], $0x80, v3, vm0, $0xb8;
	[tilespmem:$0x1E400] =	vst v63  }
0x149: {  	s31 =	simm.s32 $0x7800  }
0x14a: {  	[tilespmem:s31], [sflag:$0x1] =	stream.indirect_vreg.gather [hbm4b:s5+s2], $0x80, v3, vm1, $0xb8;
	[tilespmem:$0x1E400] =	vst v63  }
0x14b: {  	v3 =	vld [tilespmem:s29+$0x50];
	_ =	sdelay $0x4  }
0x14c: {  	v57 =	vshrl.u32 v3, $0x3  }
0x14d: {  	v4 =	vmul.u32 $0x18, v57  }
0x14e: {  	v3 =	vand.u32 $0x7, v3  }
0x14f: {  	v3 =	vor.u32 v3, v4  }
0x150: {  	v4 =	vperm.xlane v3, v0;
	_ =	sdelay $0x1  }
0x151: {  	v4 =	vadd.s32 v1, v4;
	_ =	sdelay $0x1  }
0x152: {  	v3 =	vperm.xlane v3, v2;
	_ =	sdelay $0x1  }
0x153: {  	s31 =	simm.s32 $0x7C00;
	v3 =	vadd.s32 v1, v3  }
0x154: {  	[tilespmem:s31], [sflag:$0x1] =	stream.indirect_vreg.gather [hbm4b:s3+s2], $0x80, v4, vm0, $0xb8;
	[tilespmem:$0x1E400] =	vst v63  }
0x155: {  	s31 =	simm.s32 $0x8400  }
0x156: {  	[tilespmem:s31], [sflag:$0x1] =	stream.indirect_vreg.gather [hbm4b:s5+s2], $0x80, v4, vm1, $0xb8;
	[tilespmem:$0x1E400] =	vst v63  }
0x157: {  	s31 =	simm.s32 $0x8800  }
0x158: {  	[tilespmem:s31], [sflag:$0x1] =	stream.indirect_vreg.gather [hbm4b:s3+s2], $0x80, v3, vm0, $0xb8;
	[tilespmem:$0x1E400] =	vst v63  }
0x159: {  	s31 =	simm.s32 $0x9000  }
0x15a: {  	[tilespmem:s31], [sflag:$0x1] =	stream.indirect_vreg.gather [hbm4b:s5+s2], $0x80, v3, vm1, $0xb8;
	[tilespmem:$0x1E400] =	vst v63  }
0x15b: {  	v3 =	vld [tilespmem:s29+$0x60];
	_ =	sdelay $0x4  }
0x15c: {  	v58 =	vshrl.u32 v3, $0x3  }
0x15d: {  	v4 =	vmul.u32 $0x18, v58  }
0x15e: {  	v3 =	vand.u32 $0x7, v3  }
0x15f: {  	v3 =	vor.u32 v3, v4  }
0x160: {  	v4 =	vperm.xlane v3, v0;
	_ =	sdelay $0x1  }
0x161: {  	v4 =	vadd.s32 v1, v4;
	_ =	sdelay $0x1  }
0x162: {  	v3 =	vperm.xlane v3, v2;
	_ =	sdelay $0x1  }
0x163: {  	s31 =	simm.s32 $0x9400;
	v3 =	vadd.s32 v1, v3  }
0x164: {  	[tilespmem:s31], [sflag:$0x1] =	stream.indirect_vreg.gather [hbm4b:s3+s2], $0x80, v4, vm0, $0xb8;
	[tilespmem:$0x1E400] =	vst v63  }
0x165: {  	s31 =	simm.s32 $0x9C00  }
0x166: {  	[tilespmem:s31], [sflag:$0x1] =	stream.indirect_vreg.gather [hbm4b:s5+s2], $0x80, v4, vm1, $0xb8;
	[tilespmem:$0x1E400] =	vst v63  }
0x167: {  	s31 =	simm.s32 $0xA000  }
0x168: {  	[tilespmem:s31], [sflag:$0x1] =	stream.indirect_vreg.gather [hbm4b:s3+s2], $0x80, v3, vm0, $0xb8;
	[tilespmem:$0x1E400] =	vst v63  }
0x169: {  	s31 =	simm.s32 $0xA800  }
0x16a: {  	[tilespmem:s31], [sflag:$0x1] =	stream.indirect_vreg.gather [hbm4b:s5+s2], $0x80, v3, vm1, $0xb8;
	[tilespmem:$0x1E400] =	vst v63  }
0x16b: {  	v3 =	vld [tilespmem:s29+$0x70];
	_ =	sdelay $0x4  }
0x16c: {  	v59 =	vshrl.u32 v3, $0x3  }
0x16d: {  	v4 =	vmul.u32 $0x18, v59  }
0x16e: {  	v3 =	vand.u32 $0x7, v3  }
0x16f: {  	v3 =	vor.u32 v3, v4  }
0x170: {  	v4 =	vperm.xlane v3, v0;
	_ =	sdelay $0x1  }
0x171: {  	v4 =	vadd.s32 v1, v4;
	_ =	sdelay $0x1  }
0x172: {  	v3 =	vperm.xlane v3, v2;
	_ =	sdelay $0x1  }
0x173: {  	s31 =	simm.s32 $0xAC00;
	v3 =	vadd.s32 v1, v3  }
0x174: {  	[tilespmem:s31], [sflag:$0x1] =	stream.indirect_vreg.gather [hbm4b:s3+s2], $0x80, v4, vm0, $0xb8;
	[tilespmem:$0x1E400] =	vst v63  }
0x175: {  	s31 =	simm.s32 $0xB400  }
0x176: {  	[tilespmem:s31], [sflag:$0x1] =	stream.indirect_vreg.gather [hbm4b:s5+s2], $0x80, v4, vm1, $0xb8;
	[tilespmem:$0x1E400] =	vst v63  }
0x177: {  	s31 =	simm.s32 $0xB800  }
0x178: {  	[tilespmem:s31], [sflag:$0x1] =	stream.indirect_vreg.gather [hbm4b:s3+s2], $0x80, v3, vm0, $0xb8;
	[tilespmem:$0x1E400] =	vst v63  }
0x179: {  	s31 =	simm.s32 $0xC000  }
0x17a: {  	[tilespmem:s31], [sflag:$0x1] =	stream.indirect_vreg.gather [hbm4b:s5+s2], $0x80, v3, vm1, $0xb8;
	[tilespmem:$0x1E400] =	vst v63  }
0x17b: {  	v3 =	vld [tilespmem:s29+$0x80];
	_ =	sdelay $0x4  }
0x17c: {  	v60 =	vshrl.u32 v3, $0x3  }
0x17d: {  	v4 =	vmul.u32 $0x18, v60  }
0x17e: {  	v3 =	vand.u32 $0x7, v3  }
0x17f: {  	v3 =	vor.u32 v3, v4  }
0x180: {  	v4 =	vperm.xlane v3, v0;
	_ =	sdelay $0x1  }
0x181: {  	v4 =	vadd.s32 v1, v4;
	_ =	sdelay $0x1  }
0x182: {  	v3 =	vperm.xlane v3, v2;
	_ =	sdelay $0x1  }
0x183: {  	s31 =	simm.s32 $0xC400;
	v3 =	vadd.s32 v1, v3  }
0x184: {  	[tilespmem:s31], [sflag:$0x1] =	stream.indirect_vreg.gather [hbm4b:s3+s2], $0x80, v4, vm0, $0xb8;
	[tilespmem:$0x1E400] =	vst v63  }
0x185: {  	s31 =	simm.s32 $0xCC00  }
0x186: {  	[tilespmem:s31], [sflag:$0x1] =	stream.indirect_vreg.gather [hbm4b:s5+s2], $0x80, v4, vm1, $0xb8;
	[tilespmem:$0x1E400] =	vst v63  }
0x187: {  	s31 =	simm.s32 $0xD000  }
0x188: {  	[tilespmem:s31], [sflag:$0x1] =	stream.indirect_vreg.gather [hbm4b:s3+s2], $0x80, v3, vm0, $0xb8;
	[tilespmem:$0x1E400] =	vst v63  }
0x189: {  	s31 =	simm.s32 $0xD800  }
0x18a: {  	[tilespmem:s31], [sflag:$0x1] =	stream.indirect_vreg.gather [hbm4b:s5+s2], $0x80, v3, vm1, $0xb8;
	[tilespmem:$0x1E400] =	vst v63  }
0x18b: {  	v3 =	vld [tilespmem:s29+$0x90];
	_ =	sdelay $0x4  }
0x18c: {  	v61 =	vshrl.u32 v3, $0x3  }
0x18d: {  	v4 =	vmul.u32 $0x18, v61  }
0x18e: {  	v3 =	vand.u32 $0x7, v3  }
0x18f: {  	v3 =	vor.u32 v3, v4  }
0x190: {  	v4 =	vperm.xlane v3, v0;
	_ =	sdelay $0x1  }
0x191: {  	v4 =	vadd.s32 v1, v4;
	_ =	sdelay $0x1  }
0x192: {  	v3 =	vperm.xlane v3, v2;
	_ =	sdelay $0x1  }
0x193: {  	s31 =	simm.s32 $0xDC00;
	v3 =	vadd.s32 v1, v3  }
0x194: {  	[tilespmem:s31], [sflag:$0x1] =	stream.indirect_vreg.gather [hbm4b:s3+s2], $0x80, v4, vm0, $0xb8;
	[tilespmem:$0x1E400] =	vst v63  }
0x195: {  	s31 =	simm.s32 $0xE400  }
0x196: {  	[tilespmem:s31], [sflag:$0x1] =	stream.indirect_vreg.gather [hbm4b:s5+s2], $0x80, v4, vm1, $0xb8;
	[tilespmem:$0x1E400] =	vst v63  }
0x197: {  	s31 =	simm.s32 $0xE800  }
0x198: {  	[tilespmem:s31], [sflag:$0x1] =	stream.indirect_vreg.gather [hbm4b:s3+s2], $0x80, v3, vm0, $0xb8;
	[tilespmem:$0x1E400] =	vst v63  }
0x199: {  	s31 =	simm.s32 $0xF000  }
0x19a: {  	[tilespmem:s31], [sflag:$0x1] =	stream.indirect_vreg.gather [hbm4b:s5+s2], $0x80, v3, vm1, $0xb8;
	[tilespmem:$0x1E400] =	vst v63  }
0x19b: {  	v3 =	vld [tilespmem:s29+$0xA0];
	_ =	sdelay $0x4  }
0x19c: {  	v62 =	vshrl.u32 v3, $0x3  }
0x19d: {  	v4 =	vmul.u32 $0x18, v62  }
0x19e: {  	v3 =	vand.u32 $0x7, v3  }
0x19f: {  	v3 =	vor.u32 v3, v4  }
0x1a0: {  	v4 =	vperm.xlane v3, v0;
	_ =	sdelay $0x1  }
0x1a1: {  	v4 =	vadd.s32 v1, v4;
	_ =	sdelay $0x1  }
0x1a2: {  	v3 =	vperm.xlane v3, v2;
	_ =	sdelay $0x1  }
0x1a3: {  	s31 =	simm.s32 $0xF400;
	v3 =	vadd.s32 v1, v3  }
0x1a4: {  	[tilespmem:s31], [sflag:$0x1] =	stream.indirect_vreg.gather [hbm4b:s3+s2], $0x80, v4, vm0, $0xb8;
	[tilespmem:$0x1E400] =	vst v63  }
0x1a5: {  	s31 =	simm.s32 $0xFC00  }
0x1a6: {  	[tilespmem:s31], [sflag:$0x1] =	stream.indirect_vreg.gather [hbm4b:s5+s2], $0x80, v4, vm1, $0xb8;
	[tilespmem:$0x1E400] =	vst v63  }
0x1a7: {  	s31 =	simm.s32 $0x10000  }
0x1a8: {  	[tilespmem:s31], [sflag:$0x1] =	stream.indirect_vreg.gather [hbm4b:s3+s2], $0x80, v3, vm0, $0xb8;
	[tilespmem:$0x1E400] =	vst v63  }
0x1a9: {  	s31 =	simm.s32 $0x10800  }
0x1aa: {  	[tilespmem:s31], [sflag:$0x1] =	stream.indirect_vreg.gather [hbm4b:s5+s2], $0x80, v3, vm1, $0xb8;
	[tilespmem:$0x1E400] =	vst v63  }
0x1ab: {  	v3 =	vld [tilespmem:s29+$0xB0];
	_ =	sdelay $0x4  }
0x1ac: {  	v63 =	vshrl.u32 v3, $0x3  }
0x1ad: {  	v4 =	vmul.u32 $0x18, v63  }
0x1ae: {  	v3 =	vand.u32 $0x7, v3  }
0x1af: {  	v3 =	vor.u32 v3, v4  }
0x1b0: {  	v4 =	vperm.xlane v3, v0;
	_ =	sdelay $0x1  }
0x1b1: {  	v4 =	vadd.s32 v1, v4;
	_ =	sdelay $0x2  }
0x1b2: {  	v3 =	vperm.xlane v3, v2  }
0x1b3: {  	s31 =	simm.s32 $0x10C00  }
0x1b4: {  	v3 =	vadd.s32 v1, v3;
	[tilespmem:s31], [sflag:$0x1] =	stream.indirect_vreg.gather [hbm4b:s3+s2], $0x80, v4, vm0, $0xb8;
	[tilespmem:$0x1E400] =	vst v63  }
0x1b5: {  	s31 =	simm.s32 $0x11400  }
0x1b6: {  	[tilespmem:s31], [sflag:$0x1] =	stream.indirect_vreg.gather [hbm4b:s5+s2], $0x80, v4, vm1, $0xb8;
	[tilespmem:$0x1E400] =	vst v63  }
.Ltmp5:
0x1b7: {  	_ = 	snop;
	(pc) =	sbr.rel .LBB2_4-.Ltmp5, $4  }
0x1b8: {  	s31 =	simm.s32 $0x11800  }
0x1b9: {  	[tilespmem:s31], [sflag:$0x1] =	stream.indirect_vreg.gather [hbm4b:s3+s2], $0x80, v3, vm0, $0xb8;
	[tilespmem:$0x1E400] =	vst v63  }
0x1ba: {  	s31 =	simm.s32 $0x12000  }
0x1bb: {  	[tilespmem:s31], [sflag:$0x1] =	stream.indirect_vreg.gather [hbm4b:s5+s2], $0x80, v3, vm1, $0xb8;
	[tilespmem:$0x1E400] =	vst v63  }
.LBB2_6:
0x1bc: {  	_ =	sfence.sel $0x180000  }
0x1bd: {  	[bflag:$0x0] =	sbarrier.arrive $0xFFFF  }
0x1be: {  	_ =	strace $0x90000047  }
0x1bf: {  	s0 =	stileid.u32;
	[bflag:$0x2] =	sbarrier.arrive $0xFFFF  }
0x1c0: {  	p0 =	sne.s32 s0, $0x0;
	s0 =	rddreg [dreg:$0x1]  }
0x1c1: {  	s0 =	sadd.s32 @!p0 $0x100000, s0  }
0x1c2: {  	[sflag:s0] =	ssyncadd.tile.s32 @!p0 $0x1;
	_ =	shalt  }
.Lfunc_end2:
_tile_overlayer_lowered:
.L_overlay_start_2:
0x1c3: {  	(tag) =	ssettag $0x2  }
0x1c4: {  	s0 =	rddreg [dreg:$0x0];
	s2 =	stileid.u32  }
0x1c5: {  	s1 =	rddreg [dreg:$0x1];
	p0 =	sne.s32 s2, $0x0  }
0x1c6: {  	s3 =	rddreg [dreg:$0x2];
	[bflag:$0x3] =	sbarrier.arrive $0xFFFF;
	s2 =	simm.s32 @!p0 $0x1C05  }
0x1c7: {  	[timem:s3], [sflag:s2] =	dma.local @!p0 [hbm:s0], s1  }
0x1c8: {  	s0 =	simm.s32 @!p0 $0x5  }
0x1c9: {  	_ =	swait.ge @!p0 [sflag:s0], s1  }
0x1ca: {  	s1 =	ssub.s32 @!p0 $0x0, s1;
	[sflag:s0] =	ssyncset.done @!p0 $0x0  }
0x1cb: {  	[sflag:s0] =	ssyncadd.s32 @!p0 s1  }
0x1cc: {  	[bflag:$0x3] =	sbarrier.arrive $0xFFFF  }
0x1cd: {  	_ =	shalt  }

// kernel: sparse-core-data-format-call.cloned.1.call-start
scs
called_computation_lowered:
.L_overlay_start_0:
0x0: {  	s2 =	sld [smem:$0x3FD9]  }
0x1: {  	s3 =	sld [smem:$0x3FFE];
	_ =	sdelay $0x1  }
0x2: {  	s1 =	srdreg.scid  }
0x3: {  	s0 =	sand.u32 $0x1, s1  }
0x4: {  	s18 =	sshll.u32 s0, $0xA;
	s2 =	sadd.s32 s3, s2  }
0x5: {  	s2 =	sadd.s32 s2, s18  }
0x6: {  	[smem:$0x3FC6] =	sst s2  }
0x7: {  	_ = 	snop  }
0x8: {  	s2 =	sld [smem:$0x3FD0];
	(tm) =	ssettm $0x1  }
0x9: {  	s19 =	sld [smem:$0x3FFB];
	_ =	sdelay $0x3  }
0xa: {  	_ =	strace s19  }
0xb: {  	s3 =	sld [smem:$0x3FFC];
	_ =	sdelay $0x3  }
0xc: {  	_ =	strace s3  }
0xd: {  	s3 =	sld [smem:$0x3FFD];
	_ =	sdelay $0x3  }
0xe: {  	_ =	strace s3  }
0xf: {  	_ =	strace $0x8FFFFFFF  }
0x10: {  	s20 =	sld [smem:$0x3FDB];
	_ =	sdelay $0x1  }
0x11: {  	s4 =	simm.s32 $_scs_section_size  }
0x12: {  	s5 =	simm.s32 $_size__tile_overlayer_lowered;
	s6 =	simm.s32 $_tile_overlayer_lowered  }
0x13: {  	s23 =	simm.s32 $0x1BFF;
	s22 =	sshll.u32 s6, $0x1;
	s3 =	sadd.s32 s4, s20  }
0x14: {  	s7 =	simm.s32 $0x0;
	s21 =	sshll.u32 s5, $0x1;
	s5 =	sadd.s32 s22, s3  }
0x15: {  	[timem:s7], [sflag:s23] =	dma.local [hbm:s5], s21  }
0x16: {  	_ =	swait.ge [sflag:s23], s21  }
0x17: {  	s4 =	ssub.s32 $0x0, s21;
	[sflag:s23] =	ssyncset.done $0x0  }
0x18: {  	[sflag:s23] =	ssyncadd.s32 s4;
	_ =	sdelay $0x1  }
0x19: {  	s24 =	simm.s32 $0x1B8B  }
0x1a: {  	_ =	swait.ge [sflag:s24], $0x1  }
0x1b: {  	[sflag:s24] =	ssyncset.done $0x0  }
0x1c: {  	s26 =	simm.s32 $0x1B8E;
	s25 =	sld [smem:$0x3FFE];
	[sflag:s24] =	ssyncadd.s32 $0xFFFFFFFF  }
0x1d: {  	s27 =	simm.s32 $execute0_lowered;
	[smem:$0x3FD2] =	sst s26  }
0x1e: {  	s5 =	sshll.u32 s27, $0x1;
	_ =	strace $0x80000049;
	[dreg:$0x1] =	wrdreg $0xFFFFFFFF  }
0x1f: {  	s28 =	simm.s32 $_size_execute0_lowered;
	s3 =	sadd.s32 s3, s5;
	[dreg:$0x0] =	wrdreg $0x0  }
0x20: {  	s5 =	sshll.u32 s28, $0x1;
	[dreg:$0x2] =	wrdreg s3  }
0x21: {  	[dreg:$0x3] =	wrdreg s5  }
0x22: {  	[dreg:$0x4] =	wrdreg $0xC0  }
0x23: {  	_ =	task [dreg:s7], $0x5FFFF  }
0x24: {  	[dreg:$0x1] =	wrdreg $0xFFFFFFFF  }
0x25: {  	[dreg:$0x0] =	wrdreg $0x60  }
0x26: {  	[dreg:$0x2] =	wrdreg s25  }
0x27: {  	[dreg:$0x3] =	wrdreg s2  }
0x28: {  	[dreg:$0x4] =	wrdreg $0x9  }
0x29: {  	_ =	task.clear_ibuf [dreg:s7], $0x5FFFF;
	_ =	strace $0x90000049  }
0x2a: {  	s29 =	simm.s32 $0x9;
	_ =	strace $0x8000004B  }
0x2b: {  	_ =	swait.ge [sflag:s29], $0x1  }
0x2c: {  	[sflag:s29] =	ssyncadd.s32 $0xFFFFFFFF  }
0x2d: {  	_ =	strace $0x9000004B  }
0x2e: {  	_ =	sfence  }
0x2f: {  	s30 =	sld [smem:$0x0];
	_ =	sdelay $0x2  }
0x30: {  	s31 =	sshll.u32 s1, $0xD;
	s1 =	sshrl.u32 s1, $0x2  }
0x31: {  	s3 =	sand.u32 $0x4000, s31;
	s1 =	sadd.s32 s1, s30  }
0x32: {  	s0 =	sor.u32 s3, s0;
	s1 =	sshll.u32 s1, $0x11  }
0x33: {  	s0 =	sor.u32 s1, s0  }
0x34: {  	s0 =	sadd.s32 $0x8F2B, s0  }
0x35: {  	[sflag:s0] =	ssyncadd.remote.s32 $0x1  }
0x36: {  	_ =	sfence.sel $0xFFFF  }
0x37: {  	[dreg:$0x0] =	wrdreg $0xFFFFFFFF;
	(pc) =	sbr.abs _section_cstart, $3  }
0x38: {  	[dreg:$0x1] =	wrdreg $0xFFFFFFFF  }
0x39: {  	_ =	task.clear_ibuf [dreg:s7], $0x2FFFF;
	_ =	strace $0x9FFFFFFF  }
0x3a: {  	(tm) =	ssettm $0x7FFFFFFF  }
0x3b: {  	_ =	shalt  }
tec
execute0_lowered:
.L_overlay_start_1:
0x0: {  	(tag) =	ssettag $0x1  }
0x1: {  	s0 =	srdreg.scid;
	s6 =	rddreg [dreg:$0x0]  }
0x2: {  	s3 =	rddreg [dreg:$0x1];
	s1 =	sshll.u32 s0, $0x4  }
0x3: {  	s5 =	simm.s32 $0x1;
	s0 =	stileid.u32;
	s1 =	sand.u32 $0x10, s1  }
0x4: {  	s31 =	simm.s32 $0x2;
	s18 =	simm.s32 $0x0;
	s1 =	sor.u32 s0, s1  }
0x5: {  	s8 =	simm.s32 $0xC8000;
	s17 =	simm.s32 $0x0;
	s2 =	sshll.u32 s1, $0x7  }
0x6: {  	s16 =	simm.s32 $0x0;
	s9 =	simm.s32 $0x0;
	s4 =	ssub.s32 $0x1000, s2  }
0x7: {  	s10 =	simm.s32 $0x0;
	s11 =	simm.s32 $0x0;
	s30 =	sand.u32 $0xF80, s4  }
0x8: {  	s12 =	simm.s32 $0x0;
	s13 =	simm.s32 $0x0;
	p0 =	sne.s32 s30, $0x0  }
.Ltmp0:
0x9: {  	s7 =	sshrl.u32 s4, $0xC;
	s5 =	simm.s32 @!p0 $0x0;
	(pc) =	sbr.rel .LBB1_1-.Ltmp0, $4  }
0xa: {  	s15 =	simm.s32 $0x0;
	s1 =	rddreg [dreg:$0x2];
	s5 =	sadd.s32 s5, s7  }
0xb: {  	_ =	strace $0x8000004A;
	s4 =	simm.s32 $0x1;
	s5 =	smul.u32 $0x258, s5  }
0xc: {  	s6 =	sadd.s32 $0x4AD800, s6;
	s14 =	smov.u32 s2;
	[sflag:s4] =	ssyncpa.u1 $0x0  }
0xd: {  	[sflag:s31] =	ssyncpa.u1 $0x0;
	p0 =	por $0x0, $0x0;
	s7 =	sor.u32 $0x1, s5  }
.LBB1_4:
0xe: {  	s23 =	sshra.s32 s23, $0x2;
	s24 =	sshll.u32 s10, $0xC  }
0xf: {  	p1 =	sgt.s32 s10, $0xC7;
	s26 =	smov.u32 s10;
	s27 =	sshra.s32 s10, $0x1F  }
0x10: {  	s28 =	smov.u32 s9;
	s29 =	sshra.s32 s11, $0x1F;
	s22 =	sadd.s32 s23, s22  }
0x11: {  	s30 =	sand.u32 $0xFFFF8000, s24;
	s24 =	sshll.u32 s11, $0x3;
	s26 =	simm.s32 @!p1 $0xC7  }
0x12: {  	p1 =	sgt.s32 s9, $0xAC;
	s27 =	sand.u32 s27, s10;
	s31 =	sand.u32 s29, s11  }
0x13: {  	s29 =	sshll.u32 s10, $0x7;
	s25 =	sand.u32 $0xFFFFFC00, s24;
	s28 =	simm.s32 @!p1 $0xAC  }
0x14: {  	p1 =	sgt.s32 s11, $0xF80;
	s23 =	sadd.s32 s25, s30;
	s25 =	ssub.s32 s26, s27  }
0x15: {  	[tilespmem:s21+$0x2040 ss:$0x81] =	vst.msk $0xffff, v4;
	s27 =	smov.u32 s11;
	s30 =	sshra.s32 s9, $0x1F;
	s26 =	sadd.s32 $0xFFFFFF39, s25  }
0x16: {  	v5 =	vld [tilespmem:s20+$0xFFFFFFD0];
	[tilespmem:s21+$0x2850 ss:$0x81] =	vst.msk $0xffff, v3;
	s27 =	simm.s32 @!p1 $0xF80;
	s23 =	sshrl.u32 s23, $0xC;
	s25 =	ssub.s32 $0xC8, s25  }
0x17: {  	v58 =	vld [tilespmem:s20+$0xFFFFFFE0];
	[tilespmem:s21+$0x3060 ss:$0x81] =	vst.msk $0xffff, v2;
	p1 =	sgt.s32 s26, $0x0;
	s26 =	ssub.s32 s27, s31;
	s27 =	sand.u32 s30, s9  }
0x18: {  	v59 =	vld [tilespmem:s20+$0xFFFFFFF0];
	[tilespmem:s21+$0x0 ss:$0x81] =	vst.msk $0xffff, v1;
	s21 =	smulhi.u32 $0x147AE15, s23;
	s30 =	sand.u32 $0x78, s11;
	s27 =	ssub.s32 s28, s27  }
0x19: {  	v60 =	vld [tilespmem:s20+$0x0];
	s25 =	simm.s32 @p1 $0x0;
	s31 =	sadd.s32 $0xFFFFF080, s26;
	s26 =	ssub.s32 $0x1000, s26  }
0x1a: {  	v61 =	vld [tilespmem:s20+$0x10];
	[tilespmem:s22+$0x3870 ss:$0x81] =	vst.msk $0xffff, v0;
	p1 =	sgt.s32 s31, $0x7F;
	s28 =	sadd.s32 $0xFFFFFF54, s27;
	s31 =	sand.u32 $0x380, s29  }
0x1b: {  	v62 =	vld [tilespmem:s20+$0x20];
	[tilespmem:s22+$0x810 ss:$0x81] =	vst.msk $0xffff, v5;
	s29 =	sand.u32 $0xC00, s24;
	s21 =	smul.u32 $0xC8, s21;
	s24 =	ssub.s32 $0x12C, s27  }
0x1c: {  	v63 =	vld [tilespmem:s20+$0xFFFFFFC0];
	[tilespmem:s22+$0x1020 ss:$0x81] =	vst.msk $0xffff, v58;
	s26 =	simm.s32 @p1 $0x0;
	s20 =	sor.u32 s30, s29;
	s30 =	smul.u32 $0x19000, s9  }
0x1d: {  	[tilespmem:s22+$0x1830 ss:$0x81] =	vst.msk $0xffff, v59;
	p1 =	sgt.s32 s28, $0x7F;
	s28 =	sand.u32 $0x7, s11;
	s25 =	smul.u32 s26, s25  }
0x1e: {  	[tilespmem:s22+$0x2040 ss:$0x81] =	vst.msk $0xffff, v60;
	s24 =	simm.s32 @p1 $0x0;
	s20 =	sor.u32 s31, s20;
	s21 =	ssub.s32 s23, s21  }
0x1f: {  	[tilespmem:s22+$0x2850 ss:$0x81] =	vst.msk $0xffff, v61;
	s20 =	sshrl.u32 s20, $0x3;
	s27 =	sadd.s32 s3, s30;
	s31 =	smul.u32 s24, s25  }
0x20: {  	[tilespmem:s22+$0x3060 ss:$0x81] =	vst.msk $0xffff, v62;
	s29 =	sshll.u32 s28, $0x12;
	s21 =	sshll.u32 s21, $0x9;
	s20 =	sadd.s32 s20, s27  }
0x21: {  	[tilespmem:s22+$0x0 ss:$0x81] =	vst.msk $0xffff, v63;
	s20 =	sadd.s32 s21, s20;
	s30 =	sand.u32 $0x3FFFFFFF, s31;
	s31 =	sor.u32 $0x80, s29  }
0x22: {  	[hbm4b:s20+s31] =	stream.strided.scatter [tilespmem:s19], [sflag:$0x2], s30, s8, s31, $0x20;
	[tilespmem:$0x10100] =	vst v63  }
.LBB1_5:
0x23: {  	p1 =	slt.u32 s15, $0x2  }
0x24: {  	p2 =	sgt.s32 @!p1 s18, $0xAC  }
0x25: {  	s19 =	smov.u32 s18;
	s20 =	sshra.s32 @!p1 s18, $0x1F;
	p2 =	por !p2, p1  }
0x26: {  	s18 =	sand.u32 @!p1 s20, s18;
	s19 =	simm.s32 @p2 $0xAC  }
0x27: {  	s20 =	sshra.s32 @!p1 s17, $0x1F;
	p2 =	sgt.s32 @!p1 s17, $0xC7;
	s18 =	ssub.s32 @!p1 s19, s18  }
0x28: {  	p2 =	por !p2, p1;
	s19 =	smov.u32 s17;
	s17 =	sand.u32 @!p1 s20, s17  }
0x29: {  	s20 =	sshra.s32 @!p1 s16, $0x1F;
	s19 =	simm.s32 @p2 $0xC7;
	p2 =	sgt.s32 @!p1 s16, $0xF80  }
0x2a: {  	s17 =	ssub.s32 @!p1 s19, s17;
	p2 =	por !p2, p1;
	s19 =	smov.u32 s16  }
0x2b: {  	s16 =	sand.u32 @!p1 s20, s16;
	s20 =	sadd.s32 @!p1 $0xFFFFFF39, s17;
	s19 =	simm.s32 @p2 $0xF80  }
0x2c: {  	p2 =	sgt.s32 @!p1 s20, $0x0;
	s16 =	ssub.s32 @!p1 s19, s16  }
0x2d: {  	s17 =	ssub.s32 @!p1 $0xC8, s17;
	p2 =	por !p2, p1;
	s19 =	sadd.s32 @!p1 $0xFFFFF080, s16  }
0x2e: {  	s17 =	simm.s32 @!p2 $0x0;
	p2 =	sgt.s32 @!p1 s19, $0x7F  }
0x2f: {  	s21 =	smov.u32 s14;
	s16 =	ssub.s32 @!p1 $0x1000, s16;
	p2 =	por !p2, p1  }
0x30: {  	s20 =	sadd.s32 @!p1 $0xFFFFFF54, s18;
	s19 =	sadd.s32 $0x80, s12;
	s16 =	simm.s32 @!p2 $0x0  }
0x31: {  	p2 =	sgt.s32 s19, $0x12B;
	s16 =	smul.u32 @!p1 s16, s17;
	s17 =	simm.s32 $0x1  }
0x32: {  	p0 =	por !p0, !p0;
	p3 =	sgt.s32 @!p1 s20, $0x7F;
	s17 =	simm.s32 @!p2 $0x0  }
0x33: {  	s18 =	ssub.s32 @!p1 $0x12C, s18;
	p3 =	por !p3, p1;
	s20 =	sadd.s32 s17, s13  }
0x34: {  	s18 =	simm.s32 @!p3 $0x0;
	s17 =	sadd.s32 $0x1000, s14;
	p3 =	sgt.s32 s20, $0xC7  }
0x35: {  	s22 =	simm.s32 @!p1 $0x2;
	s19 =	simm.s32 @p2 $0x0;
	s21 =	smov.u32 @p3 s17  }
0x36: {  	s16 =	smul.u32 @!p1 s18, s16;
	s18 =	smov.u32 s9;
	p2 =	sgt.s32 s21, $0xFFF  }
0x37: {  	s9 =	smov.u32 s12;
	s21 =	smov.u32 @p2 s2;
	p2 =	sne.s32 s15, s7  }
.Ltmp1:
0x38: {  	s12 =	smov.u32 s19;
	s16 =	sand.u32 @!p1 $0x3FFFFFFF, s16;
	(pc) =	sbr.rel @!p2 .LBB1_6-.Ltmp1, $4  }
0x39: {  	s20 =	simm.s32 @p3 $0x0;
	s17 =	smov.u32 s10;
	s10 =	smov.u32 s13  }
0x3a: {  	_ =	swait.ge @!p1 [sflag:s22], s16;
	s23 =	ssub.s32 @!p1 $0x0, s16;
	s16 =	smov.u32 s11  }
0x3b: {  	s11 =	smov.u32 s14;
	s13 =	smov.u32 s20;
	[sflag:s22] =	ssyncset.done @!p1 $0x0  }
0x3c: {  	s15 =	sadd.s32 $0x1, s15;
	[sflag:s22] =	ssyncadd.s32 @!p1 s23;
	s14 =	smov.u32 s21  }
.LBB1_1:
0x3d: {  	p1 =	sge.u32 s15, s5  }
0x3e: {  	s19 =	sshrl.u32 @!p1 s13, $0x3  }
0x3f: {  	s20 =	sshll.u32 @!p1 s12, $0x3;
	s19 =	smul.u32 @!p1 $0xC00, s19  }
0x40: {  	s21 =	sshll.u32 @!p1 s13, $0x7;
	s20 =	sand.u32 @!p1 $0xFFFFFC00, s20  }
0x41: {  	s19 =	sadd.s32 @!p1 s19, s20;
	s20 =	sand.u32 @!p1 $0x380, s21  }
0x42: {  	s19 =	sor.u32 @!p1 s20, s19  }
0x43: {  	s20 =	sand.u32 @!p1 $0x7F, s12;
	s21 =	smulhi.u32 @!p1 $0xAAAAAAAB, s19  }
0x44: {  	s19 =	sor.u32 @!p1 s20, s19  }
0x45: {  	s20 =	smulhi.u32 @!p1 $0xAAAAAAAB, s19;
	s21 =	sshrl.u32 @!p1 s21, $0x8  }
0x46: {  	s22 =	smulhi.u32 @!p1 $0x147AE15, s21;
	_ =	sdelay $0x1  }
0x47: {  	s20 =	sshrl.u32 @!p1 s20, $0x8;
	s22 =	smul.u32 @!p1 $0xC8, s22  }
0x48: {  	s31 =	sadd.s32 $0xFFFFFFFF, s15;
	s20 =	smul.u32 @!p1 $0x180, s20  }
0x49: {  	s23 =	sxor.u32 @!p1 $0xFFFFFFFF, s15;
	s21 =	ssub.s32 @!p1 s21, s22;
	s22 =	smul.u32 @!p1 $0x2580, s14  }
0x4a: {  	s23 =	sshll.u32 @!p1 s23, $0xE;
	s19 =	ssub.s32 @!p1 s19, s20;
	s20 =	smul.u32 @!p1 $0x30, s21  }
0x4b: {  	s21 =	sand.u32 @!p1 $0x4000, s23;
	s23 =	sand.u32 @!p1 $0x7, s19;
	s22 =	sadd.s32 @!p1 s6, s22  }
0x4c: {  	s19 =	sshrl.u32 @!p1 s19, $0x3;
	s20 =	sadd.s32 @!p1 s20, s22;
	s22 =	sshll.u32 @!p1 s23, $0x12  }
0x4d: {  	s19 =	sadd.s32 @!p1 s19, s20;
	s20 =	sor.u32 @!p1 $0x80, s22;
	s22 =	simm.s32 @!p1 $0x12C00  }
0x4e: {  	[tilespmem:s21], [sflag:$0x1] =	stream.strided.gather @!p1 [hbm4b:s19+s20], $0x4000, s22, s20, $0x38;
	[tilespmem:$0x10100] =	vst v63  }
0x4f: {  	p1 =	sge.u32 s31, s5  }
.Ltmp2:
0x50: {  	_ = 	snop;
	(pc) =	sbr.rel @p1 .LBB1_5-.Ltmp2, $1  }
0x51: {  	_ =	sdelay $0x3  }
0x52: {  	s19 =	simm.s32 $0x1  }
0x53: {  	_ =	swait.ge [sflag:s4], $0x4000;
	s19 =	simm.s32 @!p0 $0x0  }
0x54: {  	[sflag:s4] =	ssyncset.done $0x0;
	s20 =	sshll.u32 s19, $0xE  }
0x55: {  	[sflag:s4] =	ssyncadd.s32 $0xFFFFC000;
	s20 =	sor.u32 $0x40, s20  }
0x56: {  	s19 =	smul.u32 $0x10200, s19;
	v0 =	vld [tilespmem:s20+$0x30]  }
0x57: {  	v1 =	vld [tilespmem:s20+$0xFFFFFFD0]  }
0x58: {  	s19 =	sshrl.u32 s19, $0x2;
	v5 =	vld [tilespmem:s20+$0xFFFFFFE0]  }
0x59: {  	v6 =	vld [tilespmem:s20+$0xFFFFFFF0];
	s22 =	sor.u32 $0x8000, s19  }
0x5a: {  	s31 =	sand.u32 $0x1, s15;
	v4 =	vld [tilespmem:s20+$0x0];
	s21 =	sadd.s32 $0x0, s22  }
0x5b: {  	v3 =	vld [tilespmem:s20+$0x10];
	s19 =	smul.u32 $0x10200, s31;
	[tilespmem:s21+$0x3870 ss:$0x81] =	vst.msk $0xffff, v0  }
0x5c: {  	v2 =	vld [tilespmem:s20+$0x20];
	[tilespmem:s21+$0x810 ss:$0x81] =	vst.msk $0xffff, v1  }
0x5d: {  	s19 =	sshrl.u32 s19, $0x2;
	v1 =	vld [tilespmem:s20+$0xFFFFFFC0];
	[tilespmem:s21+$0x1020 ss:$0x81] =	vst.msk $0xffff, v5;
	s20 =	sadd.s32 $0x80, s20  }
0x5e: {  	s23 =	simm.s32 $0x4;
	s24 =	simm.s32 $0x8;
	s19 =	sor.u32 $0x8000, s19;
	[tilespmem:s21+$0x1830 ss:$0x81] =	vst.msk $0xffff, v6;
	v0 =	vld [tilespmem:s20+$0x30]  }
.LBB1_3:
0x5f: {  	p1 =	sne.s32 s24, $0x1FC;
	v5 =	vld [tilespmem:s20+$0xFFFFFFD0];
	[tilespmem:s21+$0x2040 ss:$0x81] =	vst.msk $0xffff, v4  }
0x60: {  	v6 =	vld [tilespmem:s20+$0xFFFFFFE0];
	[tilespmem:s21+$0x2850 ss:$0x81] =	vst.msk $0xffff, v3  }
0x61: {  	s25 =	sshra.s32 s23, $0x2;
	s23 =	smov.u32 s24;
	v7 =	vld [tilespmem:s20+$0xFFFFFFF0];
	[tilespmem:s21+$0x3060 ss:$0x81] =	vst.msk $0xffff, v2  }
.Ltmp3:
0x62: {  	v4 =	vld [tilespmem:s20+$0x0];
	[tilespmem:s21+$0x0 ss:$0x81] =	vst.msk $0xffff, v1;
	s21 =	sadd.s32 s25, s22;
	(pc) =	sbr.rel @p1 .LBB1_3-.Ltmp3, $4  }
0x63: {  	v3 =	vld [tilespmem:s20+$0x10];
	[tilespmem:s21+$0x3870 ss:$0x81] =	vst.msk $0xffff, v0  }
0x64: {  	[tilespmem:s21+$0x810 ss:$0x81] =	vst.msk $0xffff, v5;
	v2 =	vld [tilespmem:s20+$0x20]  }
0x65: {  	v1 =	vld [tilespmem:s20+$0xFFFFFFC0];
	[tilespmem:s21+$0x1020 ss:$0x81] =	vst.msk $0xffff, v6;
	s20 =	sadd.s32 $0x80, s20  }
0x66: {  	s24 =	sadd.s32 $0x4, s24;
	v0 =	vld [tilespmem:s20+$0x30];
	[tilespmem:s21+$0x1830 ss:$0x81] =	vst.msk $0xffff, v7  }
.Ltmp4:
0x67: {  	_ = 	snop;
	(pc) =	sbr.rel .LBB1_4-.Ltmp4, $1  }
0x68: {  	_ =	sdelay $0x3  }
.LBB1_6:
0x69: {  	_ =	sfence.sel $0x180000  }
0x6a: {  	s2 =	simm.s32 $0x1;
	[bflag:$0x0] =	sbarrier.arrive $0xFFFF  }
0x6b: {  	s31 =	simm.s32 $0x2;
	[sflag:s2] =	ssyncpa.u1 $0x1  }
0x6c: {  	[sflag:s31] =	ssyncpa.u1 $0x1  }
0x6d: {  	p0 =	sne.s32 s0, $0x0;
	_ =	strace $0x9000004A  }
0x6e: {  	s0 =	sadd.s32 @!p0 $0x100000, s1;
	[bflag:$0x2] =	sbarrier.arrive $0xFFFF  }
0x6f: {  	[sflag:s0] =	ssyncadd.tile.s32 @!p0 $0x1;
	_ =	shalt  }
.Lfunc_end1:
_tile_overlayer_lowered:
.L_overlay_start_2:
0x70: {  	(tag) =	ssettag $0x2  }
0x71: {  	s0 =	rddreg [dreg:$0x0];
	s2 =	stileid.u32  }
0x72: {  	s1 =	rddreg [dreg:$0x1];
	p0 =	sne.s32 s2, $0x0  }
0x73: {  	s3 =	rddreg [dreg:$0x2];
	[bflag:$0x3] =	sbarrier.arrive $0xFFFF;
	s2 =	simm.s32 @!p0 $0x1C01  }
0x74: {  	[timem:s3], [sflag:s2] =	dma.local @!p0 [hbm:s0], s1  }
0x75: {  	s0 =	simm.s32 @!p0 $0x1  }
0x76: {  	_ =	swait.ge @!p0 [sflag:s0], s1  }
0x77: {  	s1 =	ssub.s32 @!p0 $0x0, s1;
	[sflag:s0] =	ssyncset.done @!p0 $0x0  }
0x78: {  	[sflag:s0] =	ssyncadd.s32 @!p0 s1  }
0x79: {  	[bflag:$0x3] =	sbarrier.arrive $0xFFFF  }
0x7a: {  	_ =	shalt  }

</sc_bundles>
